<compile_context>
chip_gen: v7x
topology: tpu7x:2x2x1
jax: 0.10.2.dev20260603
libtpu: 0.0.44.dev20260713+nightly
codegen_flags: <defaults>
</compile_context>

<pallas_src>
import functools

import jax
import jax.numpy as jnp
from jax import lax
from jax.experimental import pallas as pl
from jax.experimental.pallas import tpu as pltpu
from jax.experimental.pallas import tpu_sc as plsc

NC, NS = 2, 16
NW = NC * NS
B = 16384
D = 128
CHUNK = 128
ROWS_PER_W = B // NW
N_CHUNKS = ROWS_PER_W // CHUNK
NBUF = 7


def _sc_gather_body(user_table, product_table, uid2d, pid2d, nid2d,
                    u_out, p_out, n_out,
                    idx_u, idx_p, idx_n, b0, b1, b2, b3, b4, b5, b6,
                    g0, g1, g2, g3, g4, g5, g6,
                    t0, t1, t2, t3, t4, t5, t6):
    bufs = (b0, b1, b2, b3, b4, b5, b6)
    gsems = (g0, g1, g2, g3, g4, g5, g6)
    ssems = (t0, t1, t2, t3, t4, t5, t6)
    wid = lax.axis_index("s") * NC + lax.axis_index("c")
    base = wid * ROWS_PER_W
    crow = wid * N_CHUNKS
    du = pltpu.async_copy(uid2d.at[pl.ds(crow, N_CHUNKS)], idx_u, t0)
    dp = pltpu.async_copy(pid2d.at[pl.ds(crow, N_CHUNKS)], idx_p, t1)
    dn = pltpu.async_copy(nid2d.at[pl.ds(crow, N_CHUNKS)], idx_n, t2)
    du.wait()
    dp.wait()
    dn.wait()
    tasks = []
    for tbl, idx, out in ((user_table, idx_u, u_out),
                          (product_table, idx_p, p_out),
                          (product_table, idx_n, n_out)):
        for j in range(N_CHUNKS):
            tasks.append((tbl, idx, j, out))
    T = len(tasks)
    LB = NBUF - 1
    gathers = [None] * T
    stores = [None] * T
    for t in range(T + LB):
        if t < T:
            tbl, idx, j, out = tasks[t]
            nb = t % NBUF
            if t >= NBUF:
                stores[t - NBUF].wait()
            gathers[t] = pltpu.async_copy(tbl.at[idx.at[j]], bufs[nb],
                                          gsems[nb])
        u = t - LB
        if 0 <= u < T:
            _, _, j, out = tasks[u]
            gathers[u].wait()
            stores[u] = pltpu.async_copy(
                bufs[u % NBUF], out.at[pl.ds(base + j * CHUNK, CHUNK)],
                ssems[u % NBUF])
    for t in range(max(0, T - NBUF), T):
        stores[t].wait()


@functools.lru_cache(maxsize=None)
def _make_sc_gather():
    return functools.partial(
        pl.kernel,
        out_type=(
            jax.ShapeDtypeStruct((B, D), jnp.float32),
            jax.ShapeDtypeStruct((B, D), jnp.float32),
            jax.ShapeDtypeStruct((B, D), jnp.float32),
        ),
        mesh=plsc.VectorSubcoreMesh(core_axis_name="c", subcore_axis_name="s",
                                    num_cores=NC, num_subcores=NS),
        scratch_types=(
            [pltpu.VMEM((N_CHUNKS, CHUNK), jnp.int32)] * 3
            + [pltpu.VMEM((CHUNK, D), jnp.float32)] * NBUF
            + [pltpu.SemaphoreType.DMA] * (2 * NBUF)
        ),
    )(_sc_gather_body)


BLK = 2048


def _tc_score_body(pos_ref, com_ref, usr_ref, neg_ref, w1_ref, w2_ref, s_ref,
                   sp_ref, sn_ref):
    dn = (((1,), (1,)), ((), ()))
    dncol = (((1,), (0,)), ((), ()))
    fused = (lax.dot_general(pos_ref[...], w1_ref[...], dn,
                             preferred_element_type=jnp.float32)
             + lax.dot_general(com_ref[...], w2_ref[...], dn,
                               preferred_element_type=jnp.float32))
    usr = usr_ref[...]
    out2 = (
        lax.dot_general(usr * fused, s_ref[0:D, :], dncol,
                        preferred_element_type=jnp.float32)
        + lax.dot_general(usr * neg_ref[...], s_ref[D:2 * D, :], dncol,
                          preferred_element_type=jnp.float32)
        + lax.dot_general(usr, s_ref[2 * D:3 * D, :], dncol,
                          preferred_element_type=jnp.float32))
    sp_ref[...] = out2[:, 0]
    sn_ref[...] = out2[:, 1]


def _tc_score(pos_emb, comment, user_emb, neg_emb, w1, w2, smat):
    grid = (B // BLK,)
    row_spec = pl.BlockSpec((BLK, D), lambda i: (i, 0))
    full_spec = pl.BlockSpec((D, D), lambda i: (0, 0))
    return pl.pallas_call(
        _tc_score_body,
        grid=grid,
        in_specs=[row_spec, row_spec, row_spec, row_spec,
                  full_spec, full_spec,
                  pl.BlockSpec((3 * D, 2), lambda i: (0, 0))],
        out_specs=[pl.BlockSpec((BLK,), lambda i: (i,)),
                   pl.BlockSpec((BLK,), lambda i: (i,))],
        out_shape=[jax.ShapeDtypeStruct((B,), jnp.float32),
                   jax.ShapeDtypeStruct((B,), jnp.float32)],
    )(pos_emb, comment, user_emb, neg_emb, w1, w2, smat)


def kernel(user_ids, positive_product_ids, negative_product_ids,
           positive_comment_embeddings, user_table, product_table, W, b):
    user_emb, pos_emb, neg_emb = _make_sc_gather()(
        user_table, product_table,
        user_ids.reshape(B // CHUNK, CHUNK),
        positive_product_ids.reshape(B // CHUNK, CHUNK),
        negative_product_ids.reshape(B // CHUNK, CHUNK))
    w1 = W[:, :D]
    w2 = W[:, D:]
    smat = jnp.concatenate([
        jnp.tile(jnp.array([[1.0, 0.0]], jnp.float32), (D, 1)),
        jnp.tile(jnp.array([[0.0, 1.0]], jnp.float32), (D, 1)),
        jnp.stack([b, jnp.zeros_like(b)], axis=1),
    ], axis=0)
    score_pos, score_neg = _tc_score(
        pos_emb, positive_comment_embeddings, user_emb, neg_emb, w1, w2, smat)
    return (score_pos, score_neg)

# --- scband reference (transcript-rebuilt; emitter-appended) ---
"""Pipeline reference for scband-bprmodel-12352325943777 (READ-ONLY COPY).

The authoritative reference and input builder live on the scoring server;
editing this copy changes nothing except your own understanding.
"""

import jax, jax.numpy as jnp
import numpy as np

NUM_USERS = 100000
NUM_PRODUCTS = 1000000
EMBED_DIM = 128
COMMENT_DIM = 128
BATCH = 16384


def setup_inputs(seed: int = 0) -> dict:
    key = jax.random.key(seed)
    k1, k2, k3, k4, k5, k6, k7 = jax.random.split(key, 7)
    user_ids = jax.random.randint(k1, (BATCH,), 0, NUM_USERS, dtype=jnp.int32)
    positive_product_ids = jax.random.randint(k2, (BATCH,), 0, NUM_PRODUCTS, dtype=jnp.int32)
    negative_product_ids = jax.random.randint(k3, (BATCH,), 0, NUM_PRODUCTS, dtype=jnp.int32)
    positive_comment_embeddings = jax.random.normal(k4, (BATCH, COMMENT_DIM), dtype=jnp.float32)
    # learned parameters
    user_table = 0.01 * jax.random.normal(k5, (NUM_USERS, EMBED_DIM), dtype=jnp.float32)
    product_table = 0.01 * jax.random.normal(k6, (NUM_PRODUCTS, EMBED_DIM), dtype=jnp.float32)
    fan_in = EMBED_DIM + COMMENT_DIM
    fan_out = EMBED_DIM
    limit = float(np.sqrt(6.0 / (fan_in + fan_out)))
    W = jax.random.uniform(k7, (fan_out, fan_in), minval=-limit, maxval=limit, dtype=jnp.float32)
    b = jnp.zeros((fan_out,), dtype=jnp.float32)
    return {
        "user_ids": user_ids,
        "positive_product_ids": positive_product_ids,
        "negative_product_ids": negative_product_ids,
        "positive_comment_embeddings": positive_comment_embeddings,
        "user_table": user_table,
        "product_table": product_table,
        "W": W,
        "b": b,
    }


def reference(user_ids, positive_product_ids, negative_product_ids,
              positive_comment_embeddings, user_table, product_table, W, b):
    user_emb = jnp.take(user_table, user_ids, axis=0)
    positive_product_emb_raw = jnp.take(product_table, positive_product_ids, axis=0)
    negative_product_emb = jnp.take(product_table, negative_product_ids, axis=0)
    fused_positive_product_input = jnp.concatenate(
        (positive_product_emb_raw, positive_comment_embeddings), axis=1)
    fused_positive_product_emb = fused_positive_product_input @ W.T + b
    score_positive = jnp.sum(user_emb * fused_positive_product_emb, axis=1)
    score_negative = jnp.sum(user_emb * negative_product_emb, axis=1)
    return (score_positive, score_negative)

if __name__ == "__main__":
    import jax
    _d = setup_inputs()
    print(jax.jit(kernel)(*tuple(_d.values())))

</pallas_src>

<mosaic_0001>
#map = affine_map<(d0, d1) -> (0, 0)>
module attributes {stable_mosaic.version = 14 : i64} {
  func.func @_sc_gather_body(%arg0: i32, %arg1: i32, %arg2: memref<100000x128xf32, #tpu.memory_space<hbm>>, %arg3: memref<1000000x128xf32, #tpu.memory_space<hbm>>, %arg4: memref<128x128xi32, #tpu.memory_space<hbm>>, %arg5: memref<128x128xi32, #tpu.memory_space<hbm>>, %arg6: memref<128x128xi32, #tpu.memory_space<hbm>>, %arg7: memref<16384x128xf32, #tpu.memory_space<hbm>>, %arg8: memref<16384x128xf32, #tpu.memory_space<hbm>>, %arg9: memref<16384x128xf32, #tpu.memory_space<hbm>>, %arg10: memref<4x128xi32, #tpu.memory_space<vmem>>, %arg11: memref<4x128xi32, #tpu.memory_space<vmem>>, %arg12: memref<4x128xi32, #tpu.memory_space<vmem>>, %arg13: memref<128x128xf32, #tpu.memory_space<vmem>>, %arg14: memref<128x128xf32, #tpu.memory_space<vmem>>, %arg15: memref<128x128xf32, #tpu.memory_space<vmem>>, %arg16: memref<128x128xf32, #tpu.memory_space<vmem>>, %arg17: memref<128x128xf32, #tpu.memory_space<vmem>>, %arg18: memref<128x128xf32, #tpu.memory_space<vmem>>, %arg19: memref<128x128xf32, #tpu.memory_space<vmem>>, %arg20: memref<!tpu.dma_semaphore, #tpu.memory_space<semaphore_mem>>, %arg21: memref<!tpu.dma_semaphore, #tpu.memory_space<semaphore_mem>>, %arg22: memref<!tpu.dma_semaphore, #tpu.memory_space<semaphore_mem>>, %arg23: memref<!tpu.dma_semaphore, #tpu.memory_space<semaphore_mem>>, %arg24: memref<!tpu.dma_semaphore, #tpu.memory_space<semaphore_mem>>, %arg25: memref<!tpu.dma_semaphore, #tpu.memory_space<semaphore_mem>>, %arg26: memref<!tpu.dma_semaphore, #tpu.memory_space<semaphore_mem>>, %arg27: memref<!tpu.dma_semaphore, #tpu.memory_space<semaphore_mem>>, %arg28: memref<!tpu.dma_semaphore, #tpu.memory_space<semaphore_mem>>, %arg29: memref<!tpu.dma_semaphore, #tpu.memory_space<semaphore_mem>>, %arg30: memref<!tpu.dma_semaphore, #tpu.memory_space<semaphore_mem>>, %arg31: memref<!tpu.dma_semaphore, #tpu.memory_space<semaphore_mem>>, %arg32: memref<!tpu.dma_semaphore, #tpu.memory_space<semaphore_mem>>, %arg33: memref<!tpu.dma_semaphore, #tpu.memory_space<semaphore_mem>>) attributes {dimension_semantics = [#tpu.dimension_semantics<core_parallel>, #tpu.dimension_semantics<subcore_parallel>], iteration_bounds = array<i64: 2, 16>, scalar_prefetch = 0 : i64, scratch_operands = 24 : i64, tpu.core_type = #tpu.core_type<sc_vector_subcore>, window_params = [{transform_indices = #map}, {transform_indices = #map}, {transform_indices = #map}, {transform_indices = #map}, {transform_indices = #map}, {transform_indices = #map}, {transform_indices = #map}, {transform_indices = #map}]} {
    %mul3A = arith.constant 2 : i32
    %mul3A_0 = arith.muli %arg1, %mul3A : i32
    %add3A = arith.addi %mul3A_0, %arg0 : i32
    %mul3A_1 = arith.constant 512 : i32
    %mul3A_2 = arith.muli %add3A, %mul3A_1 : i32
    %mul3A_3 = arith.constant 4 : i32
    %mul3A_4 = arith.muli %add3A, %mul3A_3 : i32
    %dma_start3A = arith.constant 0 : i32
    %dma_start3A_5 = tpu.memref_slice %arg4[%mul3A_4, %dma_start3A] : memref<128x128xi32, #tpu.memory_space<hbm>> -> memref<4x128xi32, #tpu.memory_space<hbm>>
    %dma_start3A_6 = arith.constant 0 : i32
    %dma_start3A_7 = tpu.memref_slice %arg4[%mul3A_4, %dma_start3A_6] : memref<128x128xi32, #tpu.memory_space<hbm>> -> memref<4x128xi32, #tpu.memory_space<hbm>>
    tpu.enqueue_dma source(%dma_start3A_7 : memref<4x128xi32, #tpu.memory_space<hbm>>) target(%arg10 : memref<4x128xi32, #tpu.memory_space<vmem>>) target_semaphore(%arg27 : memref<!tpu.dma_semaphore, #tpu.memory_space<semaphore_mem>>)
    %dma_start3A_8 = arith.constant 0 : i32
    %dma_start3A_9 = tpu.memref_slice %arg5[%mul3A_4, %dma_start3A_8] : memref<128x128xi32, #tpu.memory_space<hbm>> -> memref<4x128xi32, #tpu.memory_space<hbm>>
    %dma_start3A_10 = arith.constant 0 : i32
    %dma_start3A_11 = tpu.memref_slice %arg5[%mul3A_4, %dma_start3A_10] : memref<128x128xi32, #tpu.memory_space<hbm>> -> memref<4x128xi32, #tpu.memory_space<hbm>>
    tpu.enqueue_dma source(%dma_start3A_11 : memref<4x128xi32, #tpu.memory_space<hbm>>) target(%arg11 : memref<4x128xi32, #tpu.memory_space<vmem>>) target_semaphore(%arg28 : memref<!tpu.dma_semaphore, #tpu.memory_space<semaphore_mem>>)
    %dma_start3A_12 = arith.constant 0 : i32
    %dma_start3A_13 = tpu.memref_slice %arg6[%mul3A_4, %dma_start3A_12] : memref<128x128xi32, #tpu.memory_space<hbm>> -> memref<4x128xi32, #tpu.memory_space<hbm>>
    %dma_start3A_14 = arith.constant 0 : i32
    %dma_start3A_15 = tpu.memref_slice %arg6[%mul3A_4, %dma_start3A_14] : memref<128x128xi32, #tpu.memory_space<hbm>> -> memref<4x128xi32, #tpu.memory_space<hbm>>
    tpu.enqueue_dma source(%dma_start3A_15 : memref<4x128xi32, #tpu.memory_space<hbm>>) target(%arg12 : memref<4x128xi32, #tpu.memory_space<vmem>>) target_semaphore(%arg29 : memref<!tpu.dma_semaphore, #tpu.memory_space<semaphore_mem>>)
    %dma_wait3A = arith.constant 0 : i32
    %dma_wait3A_16 = tpu.memref_slice %arg4[%mul3A_4, %dma_wait3A] : memref<128x128xi32, #tpu.memory_space<hbm>> -> memref<4x128xi32, #tpu.memory_space<hbm>>
    %dma_wait3A_17 = arith.constant 0 : i32
    %dma_wait3A_18 = tpu.memref_slice %arg4[%mul3A_4, %dma_wait3A_17] : memref<128x128xi32, #tpu.memory_space<hbm>> -> memref<4x128xi32, #tpu.memory_space<hbm>>
    tpu.wait_dma2 semaphore(%arg27 : memref<!tpu.dma_semaphore, #tpu.memory_space<semaphore_mem>>) src(%dma_wait3A_18 : memref<4x128xi32, #tpu.memory_space<hbm>>) dst(%arg10 : memref<4x128xi32, #tpu.memory_space<vmem>>)
    %dma_wait3A_19 = arith.constant 0 : i32
    %dma_wait3A_20 = tpu.memref_slice %arg5[%mul3A_4, %dma_wait3A_19] : memref<128x128xi32, #tpu.memory_space<hbm>> -> memref<4x128xi32, #tpu.memory_space<hbm>>
    %dma_wait3A_21 = arith.constant 0 : i32
    %dma_wait3A_22 = tpu.memref_slice %arg5[%mul3A_4, %dma_wait3A_21] : memref<128x128xi32, #tpu.memory_space<hbm>> -> memref<4x128xi32, #tpu.memory_space<hbm>>
    tpu.wait_dma2 semaphore(%arg28 : memref<!tpu.dma_semaphore, #tpu.memory_space<semaphore_mem>>) src(%dma_wait3A_22 : memref<4x128xi32, #tpu.memory_space<hbm>>) dst(%arg11 : memref<4x128xi32, #tpu.memory_space<vmem>>)
    %dma_wait3A_23 = arith.constant 0 : i32
    %dma_wait3A_24 = tpu.memref_slice %arg6[%mul3A_4, %dma_wait3A_23] : memref<128x128xi32, #tpu.memory_space<hbm>> -> memref<4x128xi32, #tpu.memory_space<hbm>>
    %dma_wait3A_25 = arith.constant 0 : i32
    %dma_wait3A_26 = tpu.memref_slice %arg6[%mul3A_4, %dma_wait3A_25] : memref<128x128xi32, #tpu.memory_space<hbm>> -> memref<4x128xi32, #tpu.memory_space<hbm>>
    tpu.wait_dma2 semaphore(%arg29 : memref<!tpu.dma_semaphore, #tpu.memory_space<semaphore_mem>>) src(%dma_wait3A_26 : memref<4x128xi32, #tpu.memory_space<hbm>>) dst(%arg12 : memref<4x128xi32, #tpu.memory_space<vmem>>)
    %dma_start3A_27 = arith.constant 0 : i32
    %dma_start3A_28 = arith.constant 0 : i32
    %dma_start3A_29 = tpu.memref_slice %arg10[%dma_start3A_27, %dma_start3A_28] : memref<4x128xi32, #tpu.memory_space<vmem>> -> memref<1x128xi32, #tpu.memory_space<vmem>>
    %dma_start3A_30 = tpu.memref_squeeze %dma_start3A_29 : memref<1x128xi32, #tpu.memory_space<vmem>> -> memref<128xi32, #tpu.memory_space<vmem>>
    %dma_start3A_31 = arith.constant 0 : i32
    %dma_start3A_32 = arith.constant 0 : i32
    %dma_start3A_33 = tpu.memref_slice %arg2[%dma_start3A_31, %dma_start3A_32] : memref<100000x128xf32, #tpu.memory_space<hbm>> -> memref<100000x128xf32, #tpu.memory_space<hbm>>
    tpu.enqueue_indirect_dma source(%dma_start3A_33 : memref<100000x128xf32, #tpu.memory_space<hbm>>) target(%arg13 : memref<128x128xf32, #tpu.memory_space<vmem>>) offsets(%dma_start3A_30 : memref<128xi32, #tpu.memory_space<vmem>>) semaphore(%arg20 : memref<!tpu.dma_semaphore, #tpu.memory_space<semaphore_mem>>)
    %dma_start3A_34 = arith.constant 1 : i32
    %dma_start3A_35 = arith.constant 0 : i32
    %dma_start3A_36 = tpu.memref_slice %arg10[%dma_start3A_34, %dma_start3A_35] : memref<4x128xi32, #tpu.memory_space<vmem>> -> memref<1x128xi32, #tpu.memory_space<vmem>>
    %dma_start3A_37 = tpu.memref_squeeze %dma_start3A_36 : memref<1x128xi32, #tpu.memory_space<vmem>> -> memref<128xi32, #tpu.memory_space<vmem>>
    %dma_start3A_38 = arith.constant 0 : i32
    %dma_start3A_39 = arith.constant 0 : i32
    %dma_start3A_40 = tpu.memref_slice %arg2[%dma_start3A_38, %dma_start3A_39] : memref<100000x128xf32, #tpu.memory_space<hbm>> -> memref<100000x128xf32, #tpu.memory_space<hbm>>
    tpu.enqueue_indirect_dma source(%dma_start3A_40 : memref<100000x128xf32, #tpu.memory_space<hbm>>) target(%arg14 : memref<128x128xf32, #tpu.memory_space<vmem>>) offsets(%dma_start3A_37 : memref<128xi32, #tpu.memory_space<vmem>>) semaphore(%arg21 : memref<!tpu.dma_semaphore, #tpu.memory_space<semaphore_mem>>)
    %dma_start3A_41 = arith.constant 2 : i32
    %dma_start3A_42 = arith.constant 0 : i32
    %dma_start3A_43 = tpu.memref_slice %arg10[%dma_start3A_41, %dma_start3A_42] : memref<4x128xi32, #tpu.memory_space<vmem>> -> memref<1x128xi32, #tpu.memory_space<vmem>>
    %dma_start3A_44 = tpu.memref_squeeze %dma_start3A_43 : memref<1x128xi32, #tpu.memory_space<vmem>> -> memref<128xi32, #tpu.memory_space<vmem>>
    %dma_start3A_45 = arith.constant 0 : i32
    %dma_start3A_46 = arith.constant 0 : i32
    %dma_start3A_47 = tpu.memref_slice %arg2[%dma_start3A_45, %dma_start3A_46] : memref<100000x128xf32, #tpu.memory_space<hbm>> -> memref<100000x128xf32, #tpu.memory_space<hbm>>
    tpu.enqueue_indirect_dma source(%dma_start3A_47 : memref<100000x128xf32, #tpu.memory_space<hbm>>) target(%arg15 : memref<128x128xf32, #tpu.memory_space<vmem>>) offsets(%dma_start3A_44 : memref<128xi32, #tpu.memory_space<vmem>>) semaphore(%arg22 : memref<!tpu.dma_semaphore, #tpu.memory_space<semaphore_mem>>)
    %dma_start3A_48 = arith.constant 3 : i32
    %dma_start3A_49 = arith.constant 0 : i32
    %dma_start3A_50 = tpu.memref_slice %arg10[%dma_start3A_48, %dma_start3A_49] : memref<4x128xi32, #tpu.memory_space<vmem>> -> memref<1x128xi32, #tpu.memory_space<vmem>>
    %dma_start3A_51 = tpu.memref_squeeze %dma_start3A_50 : memref<1x128xi32, #tpu.memory_space<vmem>> -> memref<128xi32, #tpu.memory_space<vmem>>
    %dma_start3A_52 = arith.constant 0 : i32
    %dma_start3A_53 = arith.constant 0 : i32
    %dma_start3A_54 = tpu.memref_slice %arg2[%dma_start3A_52, %dma_start3A_53] : memref<100000x128xf32, #tpu.memory_space<hbm>> -> memref<100000x128xf32, #tpu.memory_space<hbm>>
    tpu.enqueue_indirect_dma source(%dma_start3A_54 : memref<100000x128xf32, #tpu.memory_space<hbm>>) target(%arg16 : memref<128x128xf32, #tpu.memory_space<vmem>>) offsets(%dma_start3A_51 : memref<128xi32, #tpu.memory_space<vmem>>) semaphore(%arg23 : memref<!tpu.dma_semaphore, #tpu.memory_space<semaphore_mem>>)
    %dma_start3A_55 = arith.constant 0 : i32
    %dma_start3A_56 = arith.constant 0 : i32
    %dma_start3A_57 = tpu.memref_slice %arg11[%dma_start3A_55, %dma_start3A_56] : memref<4x128xi32, #tpu.memory_space<vmem>> -> memref<1x128xi32, #tpu.memory_space<vmem>>
    %dma_start3A_58 = tpu.memref_squeeze %dma_start3A_57 : memref<1x128xi32, #tpu.memory_space<vmem>> -> memref<128xi32, #tpu.memory_space<vmem>>
    %dma_start3A_59 = arith.constant 0 : i32
    %dma_start3A_60 = arith.constant 0 : i32
    %dma_start3A_61 = tpu.memref_slice %arg3[%dma_start3A_59, %dma_start3A_60] : memref<1000000x128xf32, #tpu.memory_space<hbm>> -> memref<1000000x128xf32, #tpu.memory_space<hbm>>
    tpu.enqueue_indirect_dma source(%dma_start3A_61 : memref<1000000x128xf32, #tpu.memory_space<hbm>>) target(%arg17 : memref<128x128xf32, #tpu.memory_space<vmem>>) offsets(%dma_start3A_58 : memref<128xi32, #tpu.memory_space<vmem>>) semaphore(%arg24 : memref<!tpu.dma_semaphore, #tpu.memory_space<semaphore_mem>>)
    %dma_start3A_62 = arith.constant 1 : i32
    %dma_start3A_63 = arith.constant 0 : i32
    %dma_start3A_64 = tpu.memref_slice %arg11[%dma_start3A_62, %dma_start3A_63] : memref<4x128xi32, #tpu.memory_space<vmem>> -> memref<1x128xi32, #tpu.memory_space<vmem>>
    %dma_start3A_65 = tpu.memref_squeeze %dma_start3A_64 : memref<1x128xi32, #tpu.memory_space<vmem>> -> memref<128xi32, #tpu.memory_space<vmem>>
    %dma_start3A_66 = arith.constant 0 : i32
    %dma_start3A_67 = arith.constant 0 : i32
    %dma_start3A_68 = tpu.memref_slice %arg3[%dma_start3A_66, %dma_start3A_67] : memref<1000000x128xf32, #tpu.memory_space<hbm>> -> memref<1000000x128xf32, #tpu.memory_space<hbm>>
    tpu.enqueue_indirect_dma source(%dma_start3A_68 : memref<1000000x128xf32, #tpu.memory_space<hbm>>) target(%arg18 : memref<128x128xf32, #tpu.memory_space<vmem>>) offsets(%dma_start3A_65 : memref<128xi32, #tpu.memory_space<vmem>>) semaphore(%arg25 : memref<!tpu.dma_semaphore, #tpu.memory_space<semaphore_mem>>)
    %dma_start3A_69 = arith.constant 2 : i32
    %dma_start3A_70 = arith.constant 0 : i32
    %dma_start3A_71 = tpu.memref_slice %arg11[%dma_start3A_69, %dma_start3A_70] : memref<4x128xi32, #tpu.memory_space<vmem>> -> memref<1x128xi32, #tpu.memory_space<vmem>>
    %dma_start3A_72 = tpu.memref_squeeze %dma_start3A_71 : memref<1x128xi32, #tpu.memory_space<vmem>> -> memref<128xi32, #tpu.memory_space<vmem>>
    %dma_start3A_73 = arith.constant 0 : i32
    %dma_start3A_74 = arith.constant 0 : i32
    %dma_start3A_75 = tpu.memref_slice %arg3[%dma_start3A_73, %dma_start3A_74] : memref<1000000x128xf32, #tpu.memory_space<hbm>> -> memref<1000000x128xf32, #tpu.memory_space<hbm>>
    tpu.enqueue_indirect_dma source(%dma_start3A_75 : memref<1000000x128xf32, #tpu.memory_space<hbm>>) target(%arg19 : memref<128x128xf32, #tpu.memory_space<vmem>>) offsets(%dma_start3A_72 : memref<128xi32, #tpu.memory_space<vmem>>) semaphore(%arg26 : memref<!tpu.dma_semaphore, #tpu.memory_space<semaphore_mem>>)
    %dma_wait3A_76 = arith.constant 0 : i32
    %dma_wait3A_77 = arith.constant 0 : i32
    %dma_wait3A_78 = tpu.memref_slice %arg10[%dma_wait3A_76, %dma_wait3A_77] : memref<4x128xi32, #tpu.memory_space<vmem>> -> memref<1x128xi32, #tpu.memory_space<vmem>>
    %dma_wait3A_79 = tpu.memref_squeeze %dma_wait3A_78 : memref<1x128xi32, #tpu.memory_space<vmem>> -> memref<128xi32, #tpu.memory_space<vmem>>
    %dma_wait3A_80 = arith.constant 0 : i32
    %dma_wait3A_81 = arith.constant 0 : i32
    %dma_wait3A_82 = tpu.memref_slice %arg2[%dma_wait3A_80, %dma_wait3A_81] : memref<100000x128xf32, #tpu.memory_space<hbm>> -> memref<100000x128xf32, #tpu.memory_space<hbm>>
    tpu.wait_indirect_dma semaphore(%arg20 : memref<!tpu.dma_semaphore, #tpu.memory_space<semaphore_mem>>) src(%dma_wait3A_82 : memref<100000x128xf32, #tpu.memory_space<hbm>>) dst(%arg13 : memref<128x128xf32, #tpu.memory_space<vmem>>)
    %add3A_83 = arith.constant 0 : i32
    %add3A_84 = arith.addi %mul3A_2, %add3A_83 : i32
    %dma_start3A_85 = arith.constant 0 : i32
    %dma_start3A_86 = tpu.memref_slice %arg7[%add3A_84, %dma_start3A_85] : memref<16384x128xf32, #tpu.memory_space<hbm>> -> memref<128x128xf32, #tpu.memory_space<hbm>>
    %dma_start3A_87 = arith.constant 0 : i32
    %dma_start3A_88 = tpu.memref_slice %arg7[%add3A_84, %dma_start3A_87] : memref<16384x128xf32, #tpu.memory_space<hbm>> -> memref<128x128xf32, #tpu.memory_space<hbm>>
    tpu.enqueue_dma source(%arg13 : memref<128x128xf32, #tpu.memory_space<vmem>>) target(%dma_start3A_88 : memref<128x128xf32, #tpu.memory_space<hbm>>) target_semaphore(%arg27 : memref<!tpu.dma_semaphore, #tpu.memory_space<semaphore_mem>>)
    %dma_wait3A_89 = arith.constant 0 : i32
    %dma_wait3A_90 = tpu.memref_slice %arg7[%add3A_84, %dma_wait3A_89] : memref<16384x128xf32, #tpu.memory_space<hbm>> -> memref<128x128xf32, #tpu.memory_space<hbm>>
    %dma_wait3A_91 = arith.constant 0 : i32
    %dma_wait3A_92 = tpu.memref_slice %arg7[%add3A_84, %dma_wait3A_91] : memref<16384x128xf32, #tpu.memory_space<hbm>> -> memref<128x128xf32, #tpu.memory_space<hbm>>
    tpu.wait_dma2 semaphore(%arg27 : memref<!tpu.dma_semaphore, #tpu.memory_space<semaphore_mem>>) src(%arg13 : memref<128x128xf32, #tpu.memory_space<vmem>>) dst(%dma_wait3A_92 : memref<128x128xf32, #tpu.memory_space<hbm>>)
    %dma_start3A_93 = arith.constant 3 : i32
    %dma_start3A_94 = arith.constant 0 : i32
    %dma_start3A_95 = tpu.memref_slice %arg11[%dma_start3A_93, %dma_start3A_94] : memref<4x128xi32, #tpu.memory_space<vmem>> -> memref<1x128xi32, #tpu.memory_space<vmem>>
    %dma_start3A_96 = tpu.memref_squeeze %dma_start3A_95 : memref<1x128xi32, #tpu.memory_space<vmem>> -> memref<128xi32, #tpu.memory_space<vmem>>
    %dma_start3A_97 = arith.constant 0 : i32
    %dma_start3A_98 = arith.constant 0 : i32
    %dma_start3A_99 = tpu.memref_slice %arg3[%dma_start3A_97, %dma_start3A_98] : memref<1000000x128xf32, #tpu.memory_space<hbm>> -> memref<1000000x128xf32, #tpu.memory_space<hbm>>
    tpu.enqueue_indirect_dma source(%dma_start3A_99 : memref<1000000x128xf32, #tpu.memory_space<hbm>>) target(%arg13 : memref<128x128xf32, #tpu.memory_space<vmem>>) offsets(%dma_start3A_96 : memref<128xi32, #tpu.memory_space<vmem>>) semaphore(%arg20 : memref<!tpu.dma_semaphore, #tpu.memory_space<semaphore_mem>>)
    %dma_wait3A_100 = arith.constant 1 : i32
    %dma_wait3A_101 = arith.constant 0 : i32
    %dma_wait3A_102 = tpu.memref_slice %arg10[%dma_wait3A_100, %dma_wait3A_101] : memref<4x128xi32, #tpu.memory_space<vmem>> -> memref<1x128xi32, #tpu.memory_space<vmem>>
    %dma_wait3A_103 = tpu.memref_squeeze %dma_wait3A_102 : memref<1x128xi32, #tpu.memory_space<vmem>> -> memref<128xi32, #tpu.memory_space<vmem>>
    %dma_wait3A_104 = arith.constant 0 : i32
    %dma_wait3A_105 = arith.constant 0 : i32
    %dma_wait3A_106 = tpu.memref_slice %arg2[%dma_wait3A_104, %dma_wait3A_105] : memref<100000x128xf32, #tpu.memory_space<hbm>> -> memref<100000x128xf32, #tpu.memory_space<hbm>>
    tpu.wait_indirect_dma semaphore(%arg21 : memref<!tpu.dma_semaphore, #tpu.memory_space<semaphore_mem>>) src(%dma_wait3A_106 : memref<100000x128xf32, #tpu.memory_space<hbm>>) dst(%arg14 : memref<128x128xf32, #tpu.memory_space<vmem>>)
    %add3A_107 = arith.constant 128 : i32
    %add3A_108 = arith.addi %mul3A_2, %add3A_107 : i32
    %dma_start3A_109 = arith.constant 0 : i32
    %dma_start3A_110 = tpu.memref_slice %arg7[%add3A_108, %dma_start3A_109] : memref<16384x128xf32, #tpu.memory_space<hbm>> -> memref<128x128xf32, #tpu.memory_space<hbm>>
    %dma_start3A_111 = arith.constant 0 : i32
    %dma_start3A_112 = tpu.memref_slice %arg7[%add3A_108, %dma_start3A_111] : memref<16384x128xf32, #tpu.memory_space<hbm>> -> memref<128x128xf32, #tpu.memory_space<hbm>>
    tpu.enqueue_dma source(%arg14 : memref<128x128xf32, #tpu.memory_space<vmem>>) target(%dma_start3A_112 : memref<128x128xf32, #tpu.memory_space<hbm>>) target_semaphore(%arg28 : memref<!tpu.dma_semaphore, #tpu.memory_space<semaphore_mem>>)
    %dma_wait3A_113 = arith.constant 0 : i32
    %dma_wait3A_114 = tpu.memref_slice %arg7[%add3A_108, %dma_wait3A_113] : memref<16384x128xf32, #tpu.memory_space<hbm>> -> memref<128x128xf32, #tpu.memory_space<hbm>>
    %dma_wait3A_115 = arith.constant 0 : i32
    %dma_wait3A_116 = tpu.memref_slice %arg7[%add3A_108, %dma_wait3A_115] : memref<16384x128xf32, #tpu.memory_space<hbm>> -> memref<128x128xf32, #tpu.memory_space<hbm>>
    tpu.wait_dma2 semaphore(%arg28 : memref<!tpu.dma_semaphore, #tpu.memory_space<semaphore_mem>>) src(%arg14 : memref<128x128xf32, #tpu.memory_space<vmem>>) dst(%dma_wait3A_116 : memref<128x128xf32, #tpu.memory_space<hbm>>)
    %dma_start3A_117 = arith.constant 0 : i32
    %dma_start3A_118 = arith.constant 0 : i32
    %dma_start3A_119 = tpu.memref_slice %arg12[%dma_start3A_117, %dma_start3A_118] : memref<4x128xi32, #tpu.memory_space<vmem>> -> memref<1x128xi32, #tpu.memory_space<vmem>>
    %dma_start3A_120 = tpu.memref_squeeze %dma_start3A_119 : memref<1x128xi32, #tpu.memory_space<vmem>> -> memref<128xi32, #tpu.memory_space<vmem>>
    %dma_start3A_121 = arith.constant 0 : i32
    %dma_start3A_122 = arith.constant 0 : i32
    %dma_start3A_123 = tpu.memref_slice %arg3[%dma_start3A_121, %dma_start3A_122] : memref<1000000x128xf32, #tpu.memory_space<hbm>> -> memref<1000000x128xf32, #tpu.memory_space<hbm>>
    tpu.enqueue_indirect_dma source(%dma_start3A_123 : memref<1000000x128xf32, #tpu.memory_space<hbm>>) target(%arg14 : memref<128x128xf32, #tpu.memory_space<vmem>>) offsets(%dma_start3A_120 : memref<128xi32, #tpu.memory_space<vmem>>) semaphore(%arg21 : memref<!tpu.dma_semaphore, #tpu.memory_space<semaphore_mem>>)
    %dma_wait3A_124 = arith.constant 2 : i32
    %dma_wait3A_125 = arith.constant 0 : i32
    %dma_wait3A_126 = tpu.memref_slice %arg10[%dma_wait3A_124, %dma_wait3A_125] : memref<4x128xi32, #tpu.memory_space<vmem>> -> memref<1x128xi32, #tpu.memory_space<vmem>>
    %dma_wait3A_127 = tpu.memref_squeeze %dma_wait3A_126 : memref<1x128xi32, #tpu.memory_space<vmem>> -> memref<128xi32, #tpu.memory_space<vmem>>
    %dma_wait3A_128 = arith.constant 0 : i32
    %dma_wait3A_129 = arith.constant 0 : i32
    %dma_wait3A_130 = tpu.memref_slice %arg2[%dma_wait3A_128, %dma_wait3A_129] : memref<100000x128xf32, #tpu.memory_space<hbm>> -> memref<100000x128xf32, #tpu.memory_space<hbm>>
    tpu.wait_indirect_dma semaphore(%arg22 : memref<!tpu.dma_semaphore, #tpu.memory_space<semaphore_mem>>) src(%dma_wait3A_130 : memref<100000x128xf32, #tpu.memory_space<hbm>>) dst(%arg15 : memref<128x128xf32, #tpu.memory_space<vmem>>)
    %add3A_131 = arith.constant 256 : i32
    %add3A_132 = arith.addi %mul3A_2, %add3A_131 : i32
    %dma_start3A_133 = arith.constant 0 : i32
    %dma_start3A_134 = tpu.memref_slice %arg7[%add3A_132, %dma_start3A_133] : memref<16384x128xf32, #tpu.memory_space<hbm>> -> memref<128x128xf32, #tpu.memory_space<hbm>>
    %dma_start3A_135 = arith.constant 0 : i32
    %dma_start3A_136 = tpu.memref_slice %arg7[%add3A_132, %dma_start3A_135] : memref<16384x128xf32, #tpu.memory_space<hbm>> -> memref<128x128xf32, #tpu.memory_space<hbm>>
    tpu.enqueue_dma source(%arg15 : memref<128x128xf32, #tpu.memory_space<vmem>>) target(%dma_start3A_136 : memref<128x128xf32, #tpu.memory_space<hbm>>) target_semaphore(%arg29 : memref<!tpu.dma_semaphore, #tpu.memory_space<semaphore_mem>>)
    %dma_wait3A_137 = arith.constant 0 : i32
    %dma_wait3A_138 = tpu.memref_slice %arg7[%add3A_132, %dma_wait3A_137] : memref<16384x128xf32, #tpu.memory_space<hbm>> -> memref<128x128xf32, #tpu.memory_space<hbm>>
    %dma_wait3A_139 = arith.constant 0 : i32
    %dma_wait3A_140 = tpu.memref_slice %arg7[%add3A_132, %dma_wait3A_139] : memref<16384x128xf32, #tpu.memory_space<hbm>> -> memref<128x128xf32, #tpu.memory_space<hbm>>
    tpu.wait_dma2 semaphore(%arg29 : memref<!tpu.dma_semaphore, #tpu.memory_space<semaphore_mem>>) src(%arg15 : memref<128x128xf32, #tpu.memory_space<vmem>>) dst(%dma_wait3A_140 : memref<128x128xf32, #tpu.memory_space<hbm>>)
    %dma_start3A_141 = arith.constant 1 : i32
    %dma_start3A_142 = arith.constant 0 : i32
    %dma_start3A_143 = tpu.memref_slice %arg12[%dma_start3A_141, %dma_start3A_142] : memref<4x128xi32, #tpu.memory_space<vmem>> -> memref<1x128xi32, #tpu.memory_space<vmem>>
    %dma_start3A_144 = tpu.memref_squeeze %dma_start3A_143 : memref<1x128xi32, #tpu.memory_space<vmem>> -> memref<128xi32, #tpu.memory_space<vmem>>
    %dma_start3A_145 = arith.constant 0 : i32
    %dma_start3A_146 = arith.constant 0 : i32
    %dma_start3A_147 = tpu.memref_slice %arg3[%dma_start3A_145, %dma_start3A_146] : memref<1000000x128xf32, #tpu.memory_space<hbm>> -> memref<1000000x128xf32, #tpu.memory_space<hbm>>
    tpu.enqueue_indirect_dma source(%dma_start3A_147 : memref<1000000x128xf32, #tpu.memory_space<hbm>>) target(%arg15 : memref<128x128xf32, #tpu.memory_space<vmem>>) offsets(%dma_start3A_144 : memref<128xi32, #tpu.memory_space<vmem>>) semaphore(%arg22 : memref<!tpu.dma_semaphore, #tpu.memory_space<semaphore_mem>>)
    %dma_wait3A_148 = arith.constant 3 : i32
    %dma_wait3A_149 = arith.constant 0 : i32
    %dma_wait3A_150 = tpu.memref_slice %arg10[%dma_wait3A_148, %dma_wait3A_149] : memref<4x128xi32, #tpu.memory_space<vmem>> -> memref<1x128xi32, #tpu.memory_space<vmem>>
    %dma_wait3A_151 = tpu.memref_squeeze %dma_wait3A_150 : memref<1x128xi32, #tpu.memory_space<vmem>> -> memref<128xi32, #tpu.memory_space<vmem>>
    %dma_wait3A_152 = arith.constant 0 : i32
    %dma_wait3A_153 = arith.constant 0 : i32
    %dma_wait3A_154 = tpu.memref_slice %arg2[%dma_wait3A_152, %dma_wait3A_153] : memref<100000x128xf32, #tpu.memory_space<hbm>> -> memref<100000x128xf32, #tpu.memory_space<hbm>>
    tpu.wait_indirect_dma semaphore(%arg23 : memref<!tpu.dma_semaphore, #tpu.memory_space<semaphore_mem>>) src(%dma_wait3A_154 : memref<100000x128xf32, #tpu.memory_space<hbm>>) dst(%arg16 : memref<128x128xf32, #tpu.memory_space<vmem>>)
    %add3A_155 = arith.constant 384 : i32
    %add3A_156 = arith.addi %mul3A_2, %add3A_155 : i32
    %dma_start3A_157 = arith.constant 0 : i32
    %dma_start3A_158 = tpu.memref_slice %arg7[%add3A_156, %dma_start3A_157] : memref<16384x128xf32, #tpu.memory_space<hbm>> -> memref<128x128xf32, #tpu.memory_space<hbm>>
    %dma_start3A_159 = arith.constant 0 : i32
    %dma_start3A_160 = tpu.memref_slice %arg7[%add3A_156, %dma_start3A_159] : memref<16384x128xf32, #tpu.memory_space<hbm>> -> memref<128x128xf32, #tpu.memory_space<hbm>>
    tpu.enqueue_dma source(%arg16 : memref<128x128xf32, #tpu.memory_space<vmem>>) target(%dma_start3A_160 : memref<128x128xf32, #tpu.memory_space<hbm>>) target_semaphore(%arg30 : memref<!tpu.dma_semaphore, #tpu.memory_space<semaphore_mem>>)
    %dma_wait3A_161 = arith.constant 0 : i32
    %dma_wait3A_162 = tpu.memref_slice %arg7[%add3A_156, %dma_wait3A_161] : memref<16384x128xf32, #tpu.memory_space<hbm>> -> memref<128x128xf32, #tpu.memory_space<hbm>>
    %dma_wait3A_163 = arith.constant 0 : i32
    %dma_wait3A_164 = tpu.memref_slice %arg7[%add3A_156, %dma_wait3A_163] : memref<16384x128xf32, #tpu.memory_space<hbm>> -> memref<128x128xf32, #tpu.memory_space<hbm>>
    tpu.wait_dma2 semaphore(%arg30 : memref<!tpu.dma_semaphore, #tpu.memory_space<semaphore_mem>>) src(%arg16 : memref<128x128xf32, #tpu.memory_space<vmem>>) dst(%dma_wait3A_164 : memref<128x128xf32, #tpu.memory_space<hbm>>)
    %dma_start3A_165 = arith.constant 2 : i32
    %dma_start3A_166 = arith.constant 0 : i32
    %dma_start3A_167 = tpu.memref_slice %arg12[%dma_start3A_165, %dma_start3A_166] : memref<4x128xi32, #tpu.memory_space<vmem>> -> memref<1x128xi32, #tpu.memory_space<vmem>>
    %dma_start3A_168 = tpu.memref_squeeze %dma_start3A_167 : memref<1x128xi32, #tpu.memory_space<vmem>> -> memref<128xi32, #tpu.memory_space<vmem>>
    %dma_start3A_169 = arith.constant 0 : i32
    %dma_start3A_170 = arith.constant 0 : i32
    %dma_start3A_171 = tpu.memref_slice %arg3[%dma_start3A_169, %dma_start3A_170] : memref<1000000x128xf32, #tpu.memory_space<hbm>> -> memref<1000000x128xf32, #tpu.memory_space<hbm>>
    tpu.enqueue_indirect_dma source(%dma_start3A_171 : memref<1000000x128xf32, #tpu.memory_space<hbm>>) target(%arg16 : memref<128x128xf32, #tpu.memory_space<vmem>>) offsets(%dma_start3A_168 : memref<128xi32, #tpu.memory_space<vmem>>) semaphore(%arg23 : memref<!tpu.dma_semaphore, #tpu.memory_space<semaphore_mem>>)
    %dma_wait3A_172 = arith.constant 0 : i32
    %dma_wait3A_173 = arith.constant 0 : i32
    %dma_wait3A_174 = tpu.memref_slice %arg11[%dma_wait3A_172, %dma_wait3A_173] : memref<4x128xi32, #tpu.memory_space<vmem>> -> memref<1x128xi32, #tpu.memory_space<vmem>>
    %dma_wait3A_175 = tpu.memref_squeeze %dma_wait3A_174 : memref<1x128xi32, #tpu.memory_space<vmem>> -> memref<128xi32, #tpu.memory_space<vmem>>
    %dma_wait3A_176 = arith.constant 0 : i32
    %dma_wait3A_177 = arith.constant 0 : i32
    %dma_wait3A_178 = tpu.memref_slice %arg3[%dma_wait3A_176, %dma_wait3A_177] : memref<1000000x128xf32, #tpu.memory_space<hbm>> -> memref<1000000x128xf32, #tpu.memory_space<hbm>>
    tpu.wait_indirect_dma semaphore(%arg24 : memref<!tpu.dma_semaphore, #tpu.memory_space<semaphore_mem>>) src(%dma_wait3A_178 : memref<1000000x128xf32, #tpu.memory_space<hbm>>) dst(%arg17 : memref<128x128xf32, #tpu.memory_space<vmem>>)
    %add3A_179 = arith.constant 0 : i32
    %add3A_180 = arith.addi %mul3A_2, %add3A_179 : i32
    %dma_start3A_181 = arith.constant 0 : i32
    %dma_start3A_182 = tpu.memref_slice %arg8[%add3A_180, %dma_start3A_181] : memref<16384x128xf32, #tpu.memory_space<hbm>> -> memref<128x128xf32, #tpu.memory_space<hbm>>
    %dma_start3A_183 = arith.constant 0 : i32
    %dma_start3A_184 = tpu.memref_slice %arg8[%add3A_180, %dma_start3A_183] : memref<16384x128xf32, #tpu.memory_space<hbm>> -> memref<128x128xf32, #tpu.memory_space<hbm>>
    tpu.enqueue_dma source(%arg17 : memref<128x128xf32, #tpu.memory_space<vmem>>) target(%dma_start3A_184 : memref<128x128xf32, #tpu.memory_space<hbm>>) target_semaphore(%arg31 : memref<!tpu.dma_semaphore, #tpu.memory_space<semaphore_mem>>)
    %dma_wait3A_185 = arith.constant 0 : i32
    %dma_wait3A_186 = tpu.memref_slice %arg8[%add3A_180, %dma_wait3A_185] : memref<16384x128xf32, #tpu.memory_space<hbm>> -> memref<128x128xf32, #tpu.memory_space<hbm>>
    %dma_wait3A_187 = arith.constant 0 : i32
    %dma_wait3A_188 = tpu.memref_slice %arg8[%add3A_180, %dma_wait3A_187] : memref<16384x128xf32, #tpu.memory_space<hbm>> -> memref<128x128xf32, #tpu.memory_space<hbm>>
    tpu.wait_dma2 semaphore(%arg31 : memref<!tpu.dma_semaphore, #tpu.memory_space<semaphore_mem>>) src(%arg17 : memref<128x128xf32, #tpu.memory_space<vmem>>) dst(%dma_wait3A_188 : memref<128x128xf32, #tpu.memory_space<hbm>>)
    %dma_start3A_189 = arith.constant 3 : i32
    %dma_start3A_190 = arith.constant 0 : i32
    %dma_start3A_191 = tpu.memref_slice %arg12[%dma_start3A_189, %dma_start3A_190] : memref<4x128xi32, #tpu.memory_space<vmem>> -> memref<1x128xi32, #tpu.memory_space<vmem>>
    %dma_start3A_192 = tpu.memref_squeeze %dma_start3A_191 : memref<1x128xi32, #tpu.memory_space<vmem>> -> memref<128xi32, #tpu.memory_space<vmem>>
    %dma_start3A_193 = arith.constant 0 : i32
    %dma_start3A_194 = arith.constant 0 : i32
    %dma_start3A_195 = tpu.memref_slice %arg3[%dma_start3A_193, %dma_start3A_194] : memref<1000000x128xf32, #tpu.memory_space<hbm>> -> memref<1000000x128xf32, #tpu.memory_space<hbm>>
    tpu.enqueue_indirect_dma source(%dma_start3A_195 : memref<1000000x128xf32, #tpu.memory_space<hbm>>) target(%arg17 : memref<128x128xf32, #tpu.memory_space<vmem>>) offsets(%dma_start3A_192 : memref<128xi32, #tpu.memory_space<vmem>>) semaphore(%arg24 : memref<!tpu.dma_semaphore, #tpu.memory_space<semaphore_mem>>)
    %dma_wait3A_196 = arith.constant 1 : i32
    %dma_wait3A_197 = arith.constant 0 : i32
    %dma_wait3A_198 = tpu.memref_slice %arg11[%dma_wait3A_196, %dma_wait3A_197] : memref<4x128xi32, #tpu.memory_space<vmem>> -> memref<1x128xi32, #tpu.memory_space<vmem>>
    %dma_wait3A_199 = tpu.memref_squeeze %dma_wait3A_198 : memref<1x128xi32, #tpu.memory_space<vmem>> -> memref<128xi32, #tpu.memory_space<vmem>>
    %dma_wait3A_200 = arith.constant 0 : i32
    %dma_wait3A_201 = arith.constant 0 : i32
    %dma_wait3A_202 = tpu.memref_slice %arg3[%dma_wait3A_200, %dma_wait3A_201] : memref<1000000x128xf32, #tpu.memory_space<hbm>> -> memref<1000000x128xf32, #tpu.memory_space<hbm>>
    tpu.wait_indirect_dma semaphore(%arg25 : memref<!tpu.dma_semaphore, #tpu.memory_space<semaphore_mem>>) src(%dma_wait3A_202 : memref<1000000x128xf32, #tpu.memory_space<hbm>>) dst(%arg18 : memref<128x128xf32, #tpu.memory_space<vmem>>)
    %add3A_203 = arith.constant 128 : i32
    %add3A_204 = arith.addi %mul3A_2, %add3A_203 : i32
    %dma_start3A_205 = arith.constant 0 : i32
    %dma_start3A_206 = tpu.memref_slice %arg8[%add3A_204, %dma_start3A_205] : memref<16384x128xf32, #tpu.memory_space<hbm>> -> memref<128x128xf32, #tpu.memory_space<hbm>>
    %dma_start3A_207 = arith.constant 0 : i32
    %dma_start3A_208 = tpu.memref_slice %arg8[%add3A_204, %dma_start3A_207] : memref<16384x128xf32, #tpu.memory_space<hbm>> -> memref<128x128xf32, #tpu.memory_space<hbm>>
    tpu.enqueue_dma source(%arg18 : memref<128x128xf32, #tpu.memory_space<vmem>>) target(%dma_start3A_208 : memref<128x128xf32, #tpu.memory_space<hbm>>) target_semaphore(%arg32 : memref<!tpu.dma_semaphore, #tpu.memory_space<semaphore_mem>>)
    %dma_wait3A_209 = arith.constant 2 : i32
    %dma_wait3A_210 = arith.constant 0 : i32
    %dma_wait3A_211 = tpu.memref_slice %arg11[%dma_wait3A_209, %dma_wait3A_210] : memref<4x128xi32, #tpu.memory_space<vmem>> -> memref<1x128xi32, #tpu.memory_space<vmem>>
    %dma_wait3A_212 = tpu.memref_squeeze %dma_wait3A_211 : memref<1x128xi32, #tpu.memory_space<vmem>> -> memref<128xi32, #tpu.memory_space<vmem>>
    %dma_wait3A_213 = arith.constant 0 : i32
    %dma_wait3A_214 = arith.constant 0 : i32
    %dma_wait3A_215 = tpu.memref_slice %arg3[%dma_wait3A_213, %dma_wait3A_214] : memref<1000000x128xf32, #tpu.memory_space<hbm>> -> memref<1000000x128xf32, #tpu.memory_space<hbm>>
    tpu.wait_indirect_dma semaphore(%arg26 : memref<!tpu.dma_semaphore, #tpu.memory_space<semaphore_mem>>) src(%dma_wait3A_215 : memref<1000000x128xf32, #tpu.memory_space<hbm>>) dst(%arg19 : memref<128x128xf32, #tpu.memory_space<vmem>>)
    %add3A_216 = arith.constant 256 : i32
    %add3A_217 = arith.addi %mul3A_2, %add3A_216 : i32
    %dma_start3A_218 = arith.constant 0 : i32
    %dma_start3A_219 = tpu.memref_slice %arg8[%add3A_217, %dma_start3A_218] : memref<16384x128xf32, #tpu.memory_space<hbm>> -> memref<128x128xf32, #tpu.memory_space<hbm>>
    %dma_start3A_220 = arith.constant 0 : i32
    %dma_start3A_221 = tpu.memref_slice %arg8[%add3A_217, %dma_start3A_220] : memref<16384x128xf32, #tpu.memory_space<hbm>> -> memref<128x128xf32, #tpu.memory_space<hbm>>
    tpu.enqueue_dma source(%arg19 : memref<128x128xf32, #tpu.memory_space<vmem>>) target(%dma_start3A_221 : memref<128x128xf32, #tpu.memory_space<hbm>>) target_semaphore(%arg33 : memref<!tpu.dma_semaphore, #tpu.memory_space<semaphore_mem>>)
    %dma_wait3A_222 = arith.constant 3 : i32
    %dma_wait3A_223 = arith.constant 0 : i32
    %dma_wait3A_224 = tpu.memref_slice %arg11[%dma_wait3A_222, %dma_wait3A_223] : memref<4x128xi32, #tpu.memory_space<vmem>> -> memref<1x128xi32, #tpu.memory_space<vmem>>
    %dma_wait3A_225 = tpu.memref_squeeze %dma_wait3A_224 : memref<1x128xi32, #tpu.memory_space<vmem>> -> memref<128xi32, #tpu.memory_space<vmem>>
    %dma_wait3A_226 = arith.constant 0 : i32
    %dma_wait3A_227 = arith.constant 0 : i32
    %dma_wait3A_228 = tpu.memref_slice %arg3[%dma_wait3A_226, %dma_wait3A_227] : memref<1000000x128xf32, #tpu.memory_space<hbm>> -> memref<1000000x128xf32, #tpu.memory_space<hbm>>
    tpu.wait_indirect_dma semaphore(%arg20 : memref<!tpu.dma_semaphore, #tpu.memory_space<semaphore_mem>>) src(%dma_wait3A_228 : memref<1000000x128xf32, #tpu.memory_space<hbm>>) dst(%arg13 : memref<128x128xf32, #tpu.memory_space<vmem>>)
    %add3A_229 = arith.constant 384 : i32
    %add3A_230 = arith.addi %mul3A_2, %add3A_229 : i32
    %dma_start3A_231 = arith.constant 0 : i32
    %dma_start3A_232 = tpu.memref_slice %arg8[%add3A_230, %dma_start3A_231] : memref<16384x128xf32, #tpu.memory_space<hbm>> -> memref<128x128xf32, #tpu.memory_space<hbm>>
    %dma_start3A_233 = arith.constant 0 : i32
    %dma_start3A_234 = tpu.memref_slice %arg8[%add3A_230, %dma_start3A_233] : memref<16384x128xf32, #tpu.memory_space<hbm>> -> memref<128x128xf32, #tpu.memory_space<hbm>>
    tpu.enqueue_dma source(%arg13 : memref<128x128xf32, #tpu.memory_space<vmem>>) target(%dma_start3A_234 : memref<128x128xf32, #tpu.memory_space<hbm>>) target_semaphore(%arg27 : memref<!tpu.dma_semaphore, #tpu.memory_space<semaphore_mem>>)
    %dma_wait3A_235 = arith.constant 0 : i32
    %dma_wait3A_236 = arith.constant 0 : i32
    %dma_wait3A_237 = tpu.memref_slice %arg12[%dma_wait3A_235, %dma_wait3A_236] : memref<4x128xi32, #tpu.memory_space<vmem>> -> memref<1x128xi32, #tpu.memory_space<vmem>>
    %dma_wait3A_238 = tpu.memref_squeeze %dma_wait3A_237 : memref<1x128xi32, #tpu.memory_space<vmem>> -> memref<128xi32, #tpu.memory_space<vmem>>
    %dma_wait3A_239 = arith.constant 0 : i32
    %dma_wait3A_240 = arith.constant 0 : i32
    %dma_wait3A_241 = tpu.memref_slice %arg3[%dma_wait3A_239, %dma_wait3A_240] : memref<1000000x128xf32, #tpu.memory_space<hbm>> -> memref<1000000x128xf32, #tpu.memory_space<hbm>>
    tpu.wait_indirect_dma semaphore(%arg21 : memref<!tpu.dma_semaphore, #tpu.memory_space<semaphore_mem>>) src(%dma_wait3A_241 : memref<1000000x128xf32, #tpu.memory_space<hbm>>) dst(%arg14 : memref<128x128xf32, #tpu.memory_space<vmem>>)
    %add3A_242 = arith.constant 0 : i32
    %add3A_243 = arith.addi %mul3A_2, %add3A_242 : i32
    %dma_start3A_244 = arith.constant 0 : i32
    %dma_start3A_245 = tpu.memref_slice %arg9[%add3A_243, %dma_start3A_244] : memref<16384x128xf32, #tpu.memory_space<hbm>> -> memref<128x128xf32, #tpu.memory_space<hbm>>
    %dma_start3A_246 = arith.constant 0 : i32
    %dma_start3A_247 = tpu.memref_slice %arg9[%add3A_243, %dma_start3A_246] : memref<16384x128xf32, #tpu.memory_space<hbm>> -> memref<128x128xf32, #tpu.memory_space<hbm>>
    tpu.enqueue_dma source(%arg14 : memref<128x128xf32, #tpu.memory_space<vmem>>) target(%dma_start3A_247 : memref<128x128xf32, #tpu.memory_space<hbm>>) target_semaphore(%arg28 : memref<!tpu.dma_semaphore, #tpu.memory_space<semaphore_mem>>)
    %dma_wait3A_248 = arith.constant 1 : i32
    %dma_wait3A_249 = arith.constant 0 : i32
    %dma_wait3A_250 = tpu.memref_slice %arg12[%dma_wait3A_248, %dma_wait3A_249] : memref<4x128xi32, #tpu.memory_space<vmem>> -> memref<1x128xi32, #tpu.memory_space<vmem>>
    %dma_wait3A_251 = tpu.memref_squeeze %dma_wait3A_250 : memref<1x128xi32, #tpu.memory_space<vmem>> -> memref<128xi32, #tpu.memory_space<vmem>>
    %dma_wait3A_252 = arith.constant 0 : i32
    %dma_wait3A_253 = arith.constant 0 : i32
    %dma_wait3A_254 = tpu.memref_slice %arg3[%dma_wait3A_252, %dma_wait3A_253] : memref<1000000x128xf32, #tpu.memory_space<hbm>> -> memref<1000000x128xf32, #tpu.memory_space<hbm>>
    tpu.wait_indirect_dma semaphore(%arg22 : memref<!tpu.dma_semaphore, #tpu.memory_space<semaphore_mem>>) src(%dma_wait3A_254 : memref<1000000x128xf32, #tpu.memory_space<hbm>>) dst(%arg15 : memref<128x128xf32, #tpu.memory_space<vmem>>)
    %add3A_255 = arith.constant 128 : i32
    %add3A_256 = arith.addi %mul3A_2, %add3A_255 : i32
    %dma_start3A_257 = arith.constant 0 : i32
    %dma_start3A_258 = tpu.memref_slice %arg9[%add3A_256, %dma_start3A_257] : memref<16384x128xf32, #tpu.memory_space<hbm>> -> memref<128x128xf32, #tpu.memory_space<hbm>>
    %dma_start3A_259 = arith.constant 0 : i32
    %dma_start3A_260 = tpu.memref_slice %arg9[%add3A_256, %dma_start3A_259] : memref<16384x128xf32, #tpu.memory_space<hbm>> -> memref<128x128xf32, #tpu.memory_space<hbm>>
    tpu.enqueue_dma source(%arg15 : memref<128x128xf32, #tpu.memory_space<vmem>>) target(%dma_start3A_260 : memref<128x128xf32, #tpu.memory_space<hbm>>) target_semaphore(%arg29 : memref<!tpu.dma_semaphore, #tpu.memory_space<semaphore_mem>>)
    %dma_wait3A_261 = arith.constant 2 : i32
    %dma_wait3A_262 = arith.constant 0 : i32
    %dma_wait3A_263 = tpu.memref_slice %arg12[%dma_wait3A_261, %dma_wait3A_262] : memref<4x128xi32, #tpu.memory_space<vmem>> -> memref<1x128xi32, #tpu.memory_space<vmem>>
    %dma_wait3A_264 = tpu.memref_squeeze %dma_wait3A_263 : memref<1x128xi32, #tpu.memory_space<vmem>> -> memref<128xi32, #tpu.memory_space<vmem>>
    %dma_wait3A_265 = arith.constant 0 : i32
    %dma_wait3A_266 = arith.constant 0 : i32
    %dma_wait3A_267 = tpu.memref_slice %arg3[%dma_wait3A_265, %dma_wait3A_266] : memref<1000000x128xf32, #tpu.memory_space<hbm>> -> memref<1000000x128xf32, #tpu.memory_space<hbm>>
    tpu.wait_indirect_dma semaphore(%arg23 : memref<!tpu.dma_semaphore, #tpu.memory_space<semaphore_mem>>) src(%dma_wait3A_267 : memref<1000000x128xf32, #tpu.memory_space<hbm>>) dst(%arg16 : memref<128x128xf32, #tpu.memory_space<vmem>>)
    %add3A_268 = arith.constant 256 : i32
    %add3A_269 = arith.addi %mul3A_2, %add3A_268 : i32
    %dma_start3A_270 = arith.constant 0 : i32
    %dma_start3A_271 = tpu.memref_slice %arg9[%add3A_269, %dma_start3A_270] : memref<16384x128xf32, #tpu.memory_space<hbm>> -> memref<128x128xf32, #tpu.memory_space<hbm>>
    %dma_start3A_272 = arith.constant 0 : i32
    %dma_start3A_273 = tpu.memref_slice %arg9[%add3A_269, %dma_start3A_272] : memref<16384x128xf32, #tpu.memory_space<hbm>> -> memref<128x128xf32, #tpu.memory_space<hbm>>
    tpu.enqueue_dma source(%arg16 : memref<128x128xf32, #tpu.memory_space<vmem>>) target(%dma_start3A_273 : memref<128x128xf32, #tpu.memory_space<hbm>>) target_semaphore(%arg30 : memref<!tpu.dma_semaphore, #tpu.memory_space<semaphore_mem>>)
    %dma_wait3A_274 = arith.constant 3 : i32
    %dma_wait3A_275 = arith.constant 0 : i32
    %dma_wait3A_276 = tpu.memref_slice %arg12[%dma_wait3A_274, %dma_wait3A_275] : memref<4x128xi32, #tpu.memory_space<vmem>> -> memref<1x128xi32, #tpu.memory_space<vmem>>
    %dma_wait3A_277 = tpu.memref_squeeze %dma_wait3A_276 : memref<1x128xi32, #tpu.memory_space<vmem>> -> memref<128xi32, #tpu.memory_space<vmem>>
    %dma_wait3A_278 = arith.constant 0 : i32
    %dma_wait3A_279 = arith.constant 0 : i32
    %dma_wait3A_280 = tpu.memref_slice %arg3[%dma_wait3A_278, %dma_wait3A_279] : memref<1000000x128xf32, #tpu.memory_space<hbm>> -> memref<1000000x128xf32, #tpu.memory_space<hbm>>
    tpu.wait_indirect_dma semaphore(%arg24 : memref<!tpu.dma_semaphore, #tpu.memory_space<semaphore_mem>>) src(%dma_wait3A_280 : memref<1000000x128xf32, #tpu.memory_space<hbm>>) dst(%arg17 : memref<128x128xf32, #tpu.memory_space<vmem>>)
    %add3A_281 = arith.constant 384 : i32
    %add3A_282 = arith.addi %mul3A_2, %add3A_281 : i32
    %dma_start3A_283 = arith.constant 0 : i32
    %dma_start3A_284 = tpu.memref_slice %arg9[%add3A_282, %dma_start3A_283] : memref<16384x128xf32, #tpu.memory_space<hbm>> -> memref<128x128xf32, #tpu.memory_space<hbm>>
    %dma_start3A_285 = arith.constant 0 : i32
    %dma_start3A_286 = tpu.memref_slice %arg9[%add3A_282, %dma_start3A_285] : memref<16384x128xf32, #tpu.memory_space<hbm>> -> memref<128x128xf32, #tpu.memory_space<hbm>>
    tpu.enqueue_dma source(%arg17 : memref<128x128xf32, #tpu.memory_space<vmem>>) target(%dma_start3A_286 : memref<128x128xf32, #tpu.memory_space<hbm>>) target_semaphore(%arg31 : memref<!tpu.dma_semaphore, #tpu.memory_space<semaphore_mem>>)
    %dma_wait3A_287 = arith.constant 0 : i32
    %dma_wait3A_288 = tpu.memref_slice %arg8[%add3A_204, %dma_wait3A_287] : memref<16384x128xf32, #tpu.memory_space<hbm>> -> memref<128x128xf32, #tpu.memory_space<hbm>>
    %dma_wait3A_289 = arith.constant 0 : i32
    %dma_wait3A_290 = tpu.memref_slice %arg8[%add3A_204, %dma_wait3A_289] : memref<16384x128xf32, #tpu.memory_space<hbm>> -> memref<128x128xf32, #tpu.memory_space<hbm>>
    tpu.wait_dma2 semaphore(%arg32 : memref<!tpu.dma_semaphore, #tpu.memory_space<semaphore_mem>>) src(%arg18 : memref<128x128xf32, #tpu.memory_space<vmem>>) dst(%dma_wait3A_290 : memref<128x128xf32, #tpu.memory_space<hbm>>)
    %dma_wait3A_291 = arith.constant 0 : i32
    %dma_wait3A_292 = tpu.memref_slice %arg8[%add3A_217, %dma_wait3A_291] : memref<16384x128xf32, #tpu.memory_space<hbm>> -> memref<128x128xf32, #tpu.memory_space<hbm>>
    %dma_wait3A_293 = arith.constant 0 : i32
    %dma_wait3A_294 = tpu.memref_slice %arg8[%add3A_217, %dma_wait3A_293] : memref<16384x128xf32, #tpu.memory_space<hbm>> -> memref<128x128xf32, #tpu.memory_space<hbm>>
    tpu.wait_dma2 semaphore(%arg33 : memref<!tpu.dma_semaphore, #tpu.memory_space<semaphore_mem>>) src(%arg19 : memref<128x128xf32, #tpu.memory_space<vmem>>) dst(%dma_wait3A_294 : memref<128x128xf32, #tpu.memory_space<hbm>>)
    %dma_wait3A_295 = arith.constant 0 : i32
    %dma_wait3A_296 = tpu.memref_slice %arg8[%add3A_230, %dma_wait3A_295] : memref<16384x128xf32, #tpu.memory_space<hbm>> -> memref<128x128xf32, #tpu.memory_space<hbm>>
    %dma_wait3A_297 = arith.constant 0 : i32
    %dma_wait3A_298 = tpu.memref_slice %arg8[%add3A_230, %dma_wait3A_297] : memref<16384x128xf32, #tpu.memory_space<hbm>> -> memref<128x128xf32, #tpu.memory_space<hbm>>
    tpu.wait_dma2 semaphore(%arg27 : memref<!tpu.dma_semaphore, #tpu.memory_space<semaphore_mem>>) src(%arg13 : memref<128x128xf32, #tpu.memory_space<vmem>>) dst(%dma_wait3A_298 : memref<128x128xf32, #tpu.memory_space<hbm>>)
    %dma_wait3A_299 = arith.constant 0 : i32
    %dma_wait3A_300 = tpu.memref_slice %arg9[%add3A_243, %dma_wait3A_299] : memref<16384x128xf32, #tpu.memory_space<hbm>> -> memref<128x128xf32, #tpu.memory_space<hbm>>
    %dma_wait3A_301 = arith.constant 0 : i32
    %dma_wait3A_302 = tpu.memref_slice %arg9[%add3A_243, %dma_wait3A_301] : memref<16384x128xf32, #tpu.memory_space<hbm>> -> memref<128x128xf32, #tpu.memory_space<hbm>>
    tpu.wait_dma2 semaphore(%arg28 : memref<!tpu.dma_semaphore, #tpu.memory_space<semaphore_mem>>) src(%arg14 : memref<128x128xf32, #tpu.memory_space<vmem>>) dst(%dma_wait3A_302 : memref<128x128xf32, #tpu.memory_space<hbm>>)
    %dma_wait3A_303 = arith.constant 0 : i32
    %dma_wait3A_304 = tpu.memref_slice %arg9[%add3A_256, %dma_wait3A_303] : memref<16384x128xf32, #tpu.memory_space<hbm>> -> memref<128x128xf32, #tpu.memory_space<hbm>>
    %dma_wait3A_305 = arith.constant 0 : i32
    %dma_wait3A_306 = tpu.memref_slice %arg9[%add3A_256, %dma_wait3A_305] : memref<16384x128xf32, #tpu.memory_space<hbm>> -> memref<128x128xf32, #tpu.memory_space<hbm>>
    tpu.wait_dma2 semaphore(%arg29 : memref<!tpu.dma_semaphore, #tpu.memory_space<semaphore_mem>>) src(%arg15 : memref<128x128xf32, #tpu.memory_space<vmem>>) dst(%dma_wait3A_306 : memref<128x128xf32, #tpu.memory_space<hbm>>)
    %dma_wait3A_307 = arith.constant 0 : i32
    %dma_wait3A_308 = tpu.memref_slice %arg9[%add3A_269, %dma_wait3A_307] : memref<16384x128xf32, #tpu.memory_space<hbm>> -> memref<128x128xf32, #tpu.memory_space<hbm>>
    %dma_wait3A_309 = arith.constant 0 : i32
    %dma_wait3A_310 = tpu.memref_slice %arg9[%add3A_269, %dma_wait3A_309] : memref<16384x128xf32, #tpu.memory_space<hbm>> -> memref<128x128xf32, #tpu.memory_space<hbm>>
    tpu.wait_dma2 semaphore(%arg30 : memref<!tpu.dma_semaphore, #tpu.memory_space<semaphore_mem>>) src(%arg16 : memref<128x128xf32, #tpu.memory_space<vmem>>) dst(%dma_wait3A_310 : memref<128x128xf32, #tpu.memory_space<hbm>>)
    %dma_wait3A_311 = arith.constant 0 : i32
    %dma_wait3A_312 = tpu.memref_slice %arg9[%add3A_282, %dma_wait3A_311] : memref<16384x128xf32, #tpu.memory_space<hbm>> -> memref<128x128xf32, #tpu.memory_space<hbm>>
    %dma_wait3A_313 = arith.constant 0 : i32
    %dma_wait3A_314 = tpu.memref_slice %arg9[%add3A_282, %dma_wait3A_313] : memref<16384x128xf32, #tpu.memory_space<hbm>> -> memref<128x128xf32, #tpu.memory_space<hbm>>
    tpu.wait_dma2 semaphore(%arg31 : memref<!tpu.dma_semaphore, #tpu.memory_space<semaphore_mem>>) src(%arg17 : memref<128x128xf32, #tpu.memory_space<vmem>>) dst(%dma_wait3A_314 : memref<128x128xf32, #tpu.memory_space<hbm>>)
    return
  }
}

module attributes {stable_mosaic.version = 14 : i64} {
  func.func @_tc_score_body(%arg0: i32, %arg1: memref<2048x128xf32, #tpu.memory_space<vmem>>, %arg2: memref<2048x128xf32, #tpu.memory_space<vmem>>, %arg3: memref<2048x128xf32, #tpu.memory_space<vmem>>, %arg4: memref<2048x128xf32, #tpu.memory_space<vmem>>, %arg5: memref<128x128xf32, #tpu.memory_space<vmem>>, %arg6: memref<128x128xf32, #tpu.memory_space<vmem>>, %arg7: memref<384x2xf32, #tpu.memory_space<vmem>>, %arg8: memref<2048xf32, #tpu.memory_space<vmem>>, %arg9: memref<2048xf32, #tpu.memory_space<vmem>>) attributes {dimension_semantics = [#tpu.dimension_semantics<arbitrary>], iteration_bounds = array<i64: 8>, scalar_prefetch = 0 : i64, scratch_operands = 0 : i64, tpu.core_type = #tpu.core_type<tc>, window_params = [{transform_indices = @transform_0, window_bounds = array<i64: 2048, 128>}, {transform_indices = @transform_1, window_bounds = array<i64: 2048, 128>}, {transform_indices = @transform_2, window_bounds = array<i64: 2048, 128>}, {transform_indices = @transform_3, window_bounds = array<i64: 2048, 128>}, {pipeline_mode = #tpu.pipeline_mode<synchronous>, transform_indices = @transform_4, window_bounds = array<i64: 128, 128>}, {pipeline_mode = #tpu.pipeline_mode<synchronous>, transform_indices = @transform_5, window_bounds = array<i64: 128, 128>}, {pipeline_mode = #tpu.pipeline_mode<synchronous>, transform_indices = @transform_6, window_bounds = array<i64: 384, 2>}, {transform_indices = @transform_7, window_bounds = array<i64: 2048>}, {transform_indices = @transform_8, window_bounds = array<i64: 2048>}]} {
    %get3A = arith.constant 0 : index
    %get3A_0 = arith.constant 0 : index
    %get3A_1 = vector.load %arg1[%get3A, %get3A_0] : memref<2048x128xf32, #tpu.memory_space<vmem>>, vector<2048x128xf32>
    %get3A_2 = arith.constant 0 : index
    %get3A_3 = arith.constant 0 : index
    %get3A_4 = vector.load %arg5[%get3A_2, %get3A_3] : memref<128x128xf32, #tpu.memory_space<vmem>>, vector<128x128xf32>
    %dot_general3A = arith.constant dense<0.000000e+00> : vector<2048x128xf32>
    %dot_general3A_5 = tpu.matmul %get3A_1, %get3A_4, %dot_general3A {dimension_numbers = #tpu.dot_dimension_numbers<[1], [1], [0], [0], [0, 0, 1, 0], [], []>, transpose_lhs_hint = false} : vector<2048x128xf32>, vector<128x128xf32>, vector<2048x128xf32> -> vector<2048x128xf32>
    %get3A_6 = arith.constant 0 : index
    %get3A_7 = arith.constant 0 : index
    %get3A_8 = vector.load %arg2[%get3A_6, %get3A_7] : memref<2048x128xf32, #tpu.memory_space<vmem>>, vector<2048x128xf32>
    %get3A_9 = arith.constant 0 : index
    %get3A_10 = arith.constant 0 : index
    %get3A_11 = vector.load %arg6[%get3A_9, %get3A_10] : memref<128x128xf32, #tpu.memory_space<vmem>>, vector<128x128xf32>
    %dot_general3A_12 = arith.constant dense<0.000000e+00> : vector<2048x128xf32>
    %dot_general3A_13 = tpu.matmul %get3A_8, %get3A_11, %dot_general3A_12 {dimension_numbers = #tpu.dot_dimension_numbers<[1], [1], [0], [0], [0, 0, 1, 0], [], []>, transpose_lhs_hint = false} : vector<2048x128xf32>, vector<128x128xf32>, vector<2048x128xf32> -> vector<2048x128xf32>
    %add3A = arith.addf %dot_general3A_5, %dot_general3A_13 : vector<2048x128xf32>
    %get3A_14 = arith.constant 0 : index
    %get3A_15 = arith.constant 0 : index
    %get3A_16 = vector.load %arg3[%get3A_14, %get3A_15] : memref<2048x128xf32, #tpu.memory_space<vmem>>, vector<2048x128xf32>
    %mul3A = arith.mulf %get3A_16, %add3A : vector<2048x128xf32>
    %get3A_17 = arith.constant 0 : index
    %get3A_18 = arith.constant 0 : index
    %get3A_19 = vector.load %arg7[%get3A_17, %get3A_18] : memref<384x2xf32, #tpu.memory_space<vmem>>, vector<128x2xf32>
    %dot_general3A_20 = arith.constant dense<0.000000e+00> : vector<2048x2xf32>
    %dot_general3A_21 = tpu.matmul %mul3A, %get3A_19, %dot_general3A_20 {dimension_numbers = #tpu.dot_dimension_numbers<[1], [0], [0], [1], [0, 0, 1, 1], [], []>, transpose_lhs_hint = false} : vector<2048x128xf32>, vector<128x2xf32>, vector<2048x2xf32> -> vector<2048x2xf32>
    %get3A_22 = arith.constant 0 : index
    %get3A_23 = arith.constant 0 : index
    %get3A_24 = vector.load %arg4[%get3A_22, %get3A_23] : memref<2048x128xf32, #tpu.memory_space<vmem>>, vector<2048x128xf32>
    %mul3A_25 = arith.mulf %get3A_16, %get3A_24 : vector<2048x128xf32>
    %get3A_26 = arith.constant 128 : index
    %get3A_27 = arith.constant 0 : index
    %get3A_28 = vector.load %arg7[%get3A_26, %get3A_27] : memref<384x2xf32, #tpu.memory_space<vmem>>, vector<128x2xf32>
    %dot_general3A_29 = arith.constant dense<0.000000e+00> : vector<2048x2xf32>
    %dot_general3A_30 = tpu.matmul %mul3A_25, %get3A_28, %dot_general3A_29 {dimension_numbers = #tpu.dot_dimension_numbers<[1], [0], [0], [1], [0, 0, 1, 1], [], []>, transpose_lhs_hint = false} : vector<2048x128xf32>, vector<128x2xf32>, vector<2048x2xf32> -> vector<2048x2xf32>
    %add3A_31 = arith.addf %dot_general3A_21, %dot_general3A_30 : vector<2048x2xf32>
    %get3A_32 = arith.constant 256 : index
    %get3A_33 = arith.constant 0 : index
    %get3A_34 = vector.load %arg7[%get3A_32, %get3A_33] : memref<384x2xf32, #tpu.memory_space<vmem>>, vector<128x2xf32>
    %dot_general3A_35 = arith.constant dense<0.000000e+00> : vector<2048x2xf32>
    %dot_general3A_36 = tpu.matmul %get3A_16, %get3A_34, %dot_general3A_35 {dimension_numbers = #tpu.dot_dimension_numbers<[1], [0], [0], [1], [0, 0, 1, 1], [], []>, transpose_lhs_hint = false} : vector<2048x128xf32>, vector<128x2xf32>, vector<2048x2xf32> -> vector<2048x2xf32>
    %add3A_37 = arith.addf %add3A_31, %dot_general3A_36 : vector<2048x2xf32>
    %slice3A = vector.extract_strided_slice %add3A_37 {offsets = [0, 0], sizes = [2048, 1], strides = [1, 1]} : vector<2048x2xf32> to vector<2048x1xf32>
    %squeeze3A = vector.shape_cast %slice3A : vector<2048x1xf32> to vector<2048xf32>
    %swap3A = arith.constant 0 : index
    %swap3A_38 = vector.load %arg8[%swap3A] : memref<2048xf32, #tpu.memory_space<vmem>>, vector<2048xf32>
    tpu.vector_store %arg8[%swap3A], %squeeze3A {strides = array<i32>} : memref<2048xf32, #tpu.memory_space<vmem>>, vector<2048xf32>,
    %slice3A_39 = vector.extract_strided_slice %add3A_37 {offsets = [0, 1], sizes = [2048, 1], strides = [1, 1]} : vector<2048x2xf32> to vector<2048x1xf32>
    %squeeze3A_40 = vector.shape_cast %slice3A_39 : vector<2048x1xf32> to vector<2048xf32>
    %swap3A_41 = arith.constant 0 : index
    %swap3A_42 = vector.load %arg9[%swap3A_41] : memref<2048xf32, #tpu.memory_space<vmem>>, vector<2048xf32>
    tpu.vector_store %arg9[%swap3A_41], %squeeze3A_40 {strides = array<i32>} : memref<2048xf32, #tpu.memory_space<vmem>>, vector<2048xf32>,
    return
  }
  func.func @transform_0(%arg0: i32) -> (i32, i32) {
    %c0_i32 = arith.constant 0 : i32
    %c0_i32_0 = arith.constant 0 : i32
    return %arg0, %c0_i32 : i32, i32
  }
  func.func @transform_1(%arg0: i32) -> (i32, i32) {
    %c0_i32 = arith.constant 0 : i32
    %c0_i32_0 = arith.constant 0 : i32
    return %arg0, %c0_i32 : i32, i32
  }
  func.func @transform_2(%arg0: i32) -> (i32, i32) {
    %c0_i32 = arith.constant 0 : i32
    %c0_i32_0 = arith.constant 0 : i32
    return %arg0, %c0_i32 : i32, i32
  }
  func.func @transform_3(%arg0: i32) -> (i32, i32) {
    %c0_i32 = arith.constant 0 : i32
    %c0_i32_0 = arith.constant 0 : i32
    return %arg0, %c0_i32 : i32, i32
  }
  func.func @transform_4(%arg0: i32) -> (i32, i32) {
    %c0_i32 = arith.constant 0 : i32
    %c0_i32_0 = arith.constant 0 : i32
    %c0_i32_1 = arith.constant 0 : i32
    return %c0_i32, %c0_i32_0 : i32, i32
  }
  func.func @transform_5(%arg0: i32) -> (i32, i32) {
    %c0_i32 = arith.constant 0 : i32
    %c0_i32_0 = arith.constant 0 : i32
    %c0_i32_1 = arith.constant 0 : i32
    return %c0_i32, %c0_i32_0 : i32, i32
  }
  func.func @transform_6(%arg0: i32) -> (i32, i32) {
    %c0_i32 = arith.constant 0 : i32
    %c0_i32_0 = arith.constant 0 : i32
    %c0_i32_1 = arith.constant 0 : i32
    return %c0_i32, %c0_i32_0 : i32, i32
  }
  func.func @transform_7(%arg0: i32) -> i32 {
    %c0_i32 = arith.constant 0 : i32
    return %arg0 : i32
  }
  func.func @transform_8(%arg0: i32) -> i32 {
    %c0_i32 = arith.constant 0 : i32
    return %arg0 : i32
  }
}

</mosaic_0001>

<sc_bundles>
// kernel: kernel.4.cloned.1.call-start
scs
__scs_entry_jumppad:
0x0: {  	(pc) =	sbr.rel $0x88, $3  }
0x1: {  	(tag) =	ssettag $0x0;
	lr =	simm.s32 $0x1  }
0x2: {  	[smem:$0x3F99] =	sst lr;
	_ =	strace $0xD0000000  }
0x3: {  	_ = 	snop  }
0x4: {  	_ = 	snop  }
0x5: {  	_ = 	snop  }
0x6: {  	_ = 	snop  }
0x7: {  	_ = 	snop  }
__scs_overlays_trampoline_lowered:
0x8: {  	[smem:$0x3FA8] =	sst s0  }
0x9: {  	[smem:$0x3FA9] =	sst s1  }
0xa: {  	[smem:$0x3FAA] =	sst s2  }
0xb: {  	[smem:$0x3FAB] =	sst s3  }
0xc: {  	[smem:$0x3FAC] =	sst s4  }
0xd: {  	[smem:$0x3FAD] =	sst s5  }
0xe: {  	[smem:$0x3FAE] =	sst s6  }
0xf: {  	[smem:$0x3FAF] =	sst s7  }
0x10: {  	[smem:$0x3FB0] =	sst s8  }
0x11: {  	[smem:$0x3FB1] =	sst s9;
	s0 =	simm.s32 @!p0 $0x0  }
0x12: {  	s1 =	sld [smem:$0x3F97];
	s0 =	simm.s32 @p0 $0x1  }
0x13: {  	[smem:$0x3FB2] =	sst s0;
	s0 =	simm.s32 @!p1 $0x0  }
0x14: {  	s2 =	sld [smem:$0x3F96];
	s0 =	simm.s32 @p1 $0x1  }
0x15: {  	[smem:$0x3FB3] =	sst s0;
	s0 =	simm.s32 @!p2 $0x0  }
0x16: {  	s3 =	sld [smem:$0x3FDB];
	s0 =	simm.s32 @p2 $0x1  }
0x17: {  	s4 =	simm.s32 $0x1BF5;
	[smem:$0x3FB5] =	sst s0  }
0x18: {  	s0 =	sld [smem:$0x3F98];
	_ =	swait.ge [sflag:s4], $0x0  }
0x19: {  	s7 =	sld [smem:$0x3F99]  }
0x1a: {  	s8 =	sadd.s32 $0xFFFFE003, lr  }
0x1b: {  	s9 =	sadd.s32 $0xFFFFFEF7, lr;
	s5 =	simm.s32 $0xFFFFFFFF;
	p2 =	slt.u32 s8, $0xFFFFF086  }
0x1c: {  	p1 =	slt.u32 s9, $0xF7A;
	s5 =	simm.s32 @!p2 $0x0  }
0x1d: {  	s5 =	simm.s32 @p1 $0x1;
	p0 =	seq.s32 s7, s2  }
0x1e: {  	s7 =	smul.u32 @!p0 $0xF7A, s2;
	p2 =	seq.s32 @!p0 s5, $0x0  }
0x1f: {  	s9 =	smul.u32 $0xF7A, s1;
	s8 =	simm.s32 @!p0 $0x1BF5;
	p2 =	por !p2, p0  }
0x20: {  	[sflag:s8] =	ssyncset.s32 @!p0 $0xFFFFF086;
	s6 =	sadd.s32 @!p0 s3, s7;
	s7 =	simm.s32 @!p0 $0x108  }
0x21: {  	s3 =	sadd.s32 s3, s9;
	s6 =	sadd.s32 @!p0 $0x88, s6;
	s7 =	simm.s32 @p2 $0x1082  }
0x22: {  	[simem:s7], [sflag:s8] =	dma.local @!p0 [hbm:s6], $0xF7A  }
0x23: {  	s9 =	sor.u32 $0xD0000000, s2;
	s6 =	simm.s32 $0x108;
	_ =	swait.ge @!p0 [sflag:s8], $0x0  }
0x24: {  	s3 =	sadd.s32 $0x88, s3;
	s6 =	simm.s32 @!p1 $0x1082;
	[sflag:s4] =	ssyncset.s32 $0xFFFFF086  }
0x25: {  	[simem:s6], [sflag:s4] =	dma.local [hbm:s3], $0xF7A  }
0x26: {  	[smem:$0x3F99] =	sst s1;
	(tag) =	ssettag s2;
	_ =	strace s9  }
0x27: {  	s1 =	sld [smem:$0x3FA9]  }
0x28: {  	s2 =	sld [smem:$0x3FAA]  }
0x29: {  	s4 =	sld [smem:$0x3FAC]  }
0x2a: {  	p0 =	seq.s32 s5, $0x0;
	s5 =	sld [smem:$0x3FAD]  }
0x2b: {  	s6 =	sld [smem:$0x3FAE]  }
0x2c: {  	s7 =	sld [smem:$0x3FAF]  }
0x2d: {  	s3 =	simm.s32 $0x108;
	s8 =	sld [smem:$0x3FB0]  }
0x2e: {  	s3 =	simm.s32 @!p0 $0x1082;
	s9 =	sld [smem:$0x3FB1]  }
0x2f: {  	lr =	sadd.s32 s0, s3;
	s0 =	sld [smem:$0x3FA8]  }
0x30: {  	s3 =	sld [smem:$0x3FAB]  }
0x31: {  	[smem:$0x3FB4] =	sst s10  }
0x32: {  	s10 =	sld [smem:$0x3FB2];
	_ =	sdelay $0x3  }
0x33: {  	p0 =	seq.s32 s10, $0x1;
	s10 =	sld [smem:$0x3FB4];
	_ =	sdelay $0x3  }
0x34: {  	[smem:$0x3FB4] =	sst s10  }
0x35: {  	s10 =	sld [smem:$0x3FB3];
	_ =	sdelay $0x3  }
0x36: {  	p1 =	seq.s32 s10, $0x1;
	s10 =	sld [smem:$0x3FB4];
	_ =	sdelay $0x3  }
0x37: {  	[smem:$0x3FB4] =	sst s10  }
0x38: {  	s10 =	sld [smem:$0x3FB5]  }
0x39: {  	_ = 	snop;
	(pc) =	sbr.ind lr, $3  }
0x3a: {  	_ = 	snop  }
0x3b: {  	_ = 	snop  }
0x3c: {  	p2 =	seq.s32 s10, $0x1;
	s10 =	sld [smem:$0x3FB4]  }
0x3d: {  	_ =	shalt  }
0x3e: {  	_ =	shalt  }
0x3f: {  	_ =	shalt  }
0x40: {  	_ =	shalt  }
0x41: {  	_ =	shalt  }
0x42: {  	_ =	shalt  }
0x43: {  	_ =	shalt  }
0x44: {  	_ =	shalt  }
0x45: {  	_ =	shalt  }
0x46: {  	_ =	shalt  }
0x47: {  	_ =	shalt  }
0x48: {  	_ =	shalt  }
0x49: {  	_ =	shalt  }
0x4a: {  	_ =	shalt  }
0x4b: {  	_ =	shalt  }
0x4c: {  	_ =	shalt  }
0x4d: {  	_ =	shalt  }
0x4e: {  	_ =	shalt  }
0x4f: {  	_ =	shalt  }
0x50: {  	_ =	shalt  }
0x51: {  	_ =	shalt  }
0x52: {  	_ =	shalt  }
0x53: {  	_ =	shalt  }
0x54: {  	_ =	shalt  }
0x55: {  	_ =	shalt  }
0x56: {  	_ =	shalt  }
0x57: {  	_ =	shalt  }
0x58: {  	_ =	shalt  }
0x59: {  	_ =	shalt  }
0x5a: {  	_ =	shalt  }
0x5b: {  	_ =	shalt  }
0x5c: {  	_ =	shalt  }
0x5d: {  	_ =	shalt  }
0x5e: {  	_ =	shalt  }
0x5f: {  	_ =	shalt  }
0x60: {  	_ =	shalt  }
0x61: {  	_ =	shalt  }
0x62: {  	_ =	shalt  }
0x63: {  	_ =	shalt  }
0x64: {  	_ =	shalt  }
0x65: {  	_ =	shalt  }
0x66: {  	_ =	shalt  }
0x67: {  	_ =	shalt  }
0x68: {  	_ =	shalt  }
0x69: {  	_ =	shalt  }
0x6a: {  	_ =	shalt  }
0x6b: {  	_ =	shalt  }
0x6c: {  	_ =	shalt  }
0x6d: {  	_ =	shalt  }
0x6e: {  	_ =	shalt  }
0x6f: {  	_ =	shalt  }
0x70: {  	_ =	shalt  }
0x71: {  	_ =	shalt  }
0x72: {  	_ =	shalt  }
0x73: {  	_ =	shalt  }
0x74: {  	_ =	shalt  }
0x75: {  	_ =	shalt  }
0x76: {  	_ =	shalt  }
0x77: {  	_ =	shalt  }
0x78: {  	_ =	shalt  }
0x79: {  	_ =	shalt  }
0x7a: {  	_ =	shalt  }
0x7b: {  	_ =	shalt  }
0x7c: {  	_ =	shalt  }
0x7d: {  	_ =	shalt  }
0x7e: {  	_ =	shalt  }
0x7f: {  	_ =	shalt  }
0x80: {  	_ =	shalt  }
0x81: {  	_ =	shalt  }
0x82: {  	_ =	shalt  }
0x83: {  	_ =	shalt  }
0x84: {  	_ =	shalt  }
0x85: {  	_ =	shalt  }
0x86: {  	_ =	shalt  }
0x87: {  	_ =	shalt  }
.Lfunc_end0:
.L_simem_size_0:
called_computation_lowered:
.L_overlay_start_0:
0x88: {  	s2 =	sld [smem:$0x3FD9]  }
0x89: {  	s3 =	sld [smem:$0x3FFE];
	_ =	sdelay $0x1  }
0x8a: {  	s1 =	srdreg.scid  }
0x8b: {  	s0 =	sand.u32 $0x1, s1  }
0x8c: {  	s17 =	sshll.u32 s0, $0xA;
	s2 =	sadd.s32 s3, s2  }
0x8d: {  	s2 =	sadd.s32 s2, s17  }
0x8e: {  	[smem:$0x3FC0] =	sst s2  }
0x8f: {  	_ = 	snop  }
0x90: {  	s2 =	sld [smem:$0x3FC9]  }
0x91: {  	s18 =	sld [smem:$0x3FC8]  }
0x92: {  	s4 =	sld [smem:$0x3FC7]  }
0x93: {  	s5 =	sld [smem:$0x3FC5]  }
0x94: {  	s6 =	sld [smem:$0x3FC4];
	(tm) =	ssettm $0x1  }
0x95: {  	s7 =	sld [smem:$0x3FFB];
	_ =	sdelay $0x3  }
0x96: {  	_ =	strace s7  }
0x97: {  	s7 =	sld [smem:$0x3FFC];
	_ =	sdelay $0x3  }
0x98: {  	_ =	strace s7  }
0x99: {  	s7 =	sld [smem:$0x3FFD];
	_ =	sdelay $0x3  }
0x9a: {  	_ =	strace s7  }
0x9b: {  	_ =	strace $0x8FFFFFFF  }
0x9c: {  	s19 =	sld [smem:$0x3FDB];
	_ =	sdelay $0x1  }
0x9d: {  	s8 =	simm.s32 $_scs_section_size  }
0x9e: {  	s9 =	simm.s32 $_size__tile_overlayer_lowered;
	s10 =	simm.s32 $_tile_overlayer_lowered  }
0x9f: {  	s22 =	simm.s32 $0x1BFF;
	s21 =	sshll.u32 s10, $0x1;
	s7 =	sadd.s32 s8, s19  }
0xa0: {  	s11 =	simm.s32 $0x0;
	s20 =	sshll.u32 s9, $0x1;
	s9 =	sadd.s32 s21, s7  }
0xa1: {  	[timem:s11], [sflag:s22] =	dma.local [hbm:s9], s20  }
0xa2: {  	_ =	swait.ge [sflag:s22], s20  }
0xa3: {  	s8 =	ssub.s32 $0x0, s20;
	[sflag:s22] =	ssyncset.done $0x0  }
0xa4: {  	[sflag:s22] =	ssyncadd.s32 s8;
	_ =	sdelay $0x1  }
0xa5: {  	s23 =	simm.s32 $0x1B8B  }
0xa6: {  	_ =	swait.ge [sflag:s23], $0x1  }
0xa7: {  	[sflag:s23] =	ssyncset.done $0x0  }
0xa8: {  	s25 =	simm.s32 $0x1B8E;
	s24 =	sld [smem:$0x3FFE];
	[sflag:s23] =	ssyncadd.s32 $0xFFFFFFFF  }
0xa9: {  	s26 =	simm.s32 $execute0_lowered;
	[smem:$0x3FD2] =	sst s25  }
0xaa: {  	s9 =	sshll.u32 s26, $0x1;
	_ =	strace $0x80000046;
	[dreg:$0x1] =	wrdreg $0xFFFFFFFF  }
0xab: {  	s28 =	simm.s32 $_size_execute0_lowered;
	s7 =	sadd.s32 s7, s9;
	[dreg:$0x0] =	wrdreg $0x0  }
0xac: {  	s9 =	sshll.u32 s28, $0x1;
	[dreg:$0x2] =	wrdreg s7  }
0xad: {  	[dreg:$0x3] =	wrdreg s9  }
0xae: {  	[dreg:$0x4] =	wrdreg $0xC0  }
0xaf: {  	_ =	task [dreg:s11], $0x5FFFF  }
0xb0: {  	[dreg:$0x1] =	wrdreg $0xFFFFFFFF  }
0xb1: {  	[dreg:$0x0] =	wrdreg $0x60  }
0xb2: {  	[dreg:$0x2] =	wrdreg s5  }
0xb3: {  	[dreg:$0x3] =	wrdreg s6  }
0xb4: {  	[dreg:$0x4] =	wrdreg s2  }
0xb5: {  	[dreg:$0x5] =	wrdreg s18  }
0xb6: {  	[dreg:$0x6] =	wrdreg s4  }
0xb7: {  	[dreg:$0x7] =	wrdreg s24  }
0xb8: {  	[dreg:$0x8] =	wrdreg $0x9  }
0xb9: {  	_ =	task.clear_ibuf [dreg:s11], $0x9FFFF;
	_ =	strace $0x90000046  }
0xba: {  	s29 =	simm.s32 $0x9;
	_ =	strace $0x80000048  }
0xbb: {  	_ =	swait.ge [sflag:s29], $0x1  }
0xbc: {  	[sflag:s29] =	ssyncadd.s32 $0xFFFFFFFF  }
0xbd: {  	_ =	strace $0x90000048  }
0xbe: {  	_ =	sfence  }
0xbf: {  	s30 =	sld [smem:$0x0];
	_ =	sdelay $0x2  }
0xc0: {  	s31 =	sshll.u32 s1, $0xD;
	s1 =	sshrl.u32 s1, $0x2  }
0xc1: {  	s3 =	sand.u32 $0x4000, s31;
	s1 =	sadd.s32 s1, s30  }
0xc2: {  	s0 =	sor.u32 s3, s0;
	s1 =	sshll.u32 s1, $0x11  }
0xc3: {  	s0 =	sor.u32 s1, s0  }
0xc4: {  	s0 =	sadd.s32 $0x8F2B, s0  }
0xc5: {  	[sflag:s0] =	ssyncadd.remote.s32 $0x1  }
0xc6: {  	_ =	sfence.sel $0xFFFF  }
0xc7: {  	[dreg:$0x0] =	wrdreg $0xFFFFFFFF;
	(pc) =	sbr.abs _section_cstart, $3  }
0xc8: {  	[dreg:$0x1] =	wrdreg $0xFFFFFFFF  }
0xc9: {  	_ =	task.clear_ibuf [dreg:s11], $0x2FFFF;
	_ =	strace $0x9FFFFFFF  }
0xca: {  	(tm) =	ssettm $0x7FFFFFFF  }
0xcb: {  	_ =	shalt  }
tec
execute0_lowered:
.L_overlay_start_1:
0x0: {  	(tag) =	ssettag $0x1  }
0x1: {  	s14 =	rddreg [dreg:$0x0]  }
0x2: {  	s3 =	rddreg [dreg:$0x1]  }
0x3: {  	s0 =	rddreg [dreg:$0x2]  }
0x4: {  	s1 =	rddreg [dreg:$0x3]  }
0x5: {  	s4 =	rddreg [dreg:$0x4]  }
0x6: {  	s5 =	rddreg [dreg:$0x5]  }
0x7: {  	s2 =	srdreg.scid;
	s29 =	rddreg [dreg:$0x6]  }
0x8: {  	s9 =	stileid.u32;
	s31 =	simm.s32 $0x200;
	p0 =	por $0x0, $0x0  }
0x9: {  	s30 =	simm.s32 $0x580;
	s28 =	simm.s32 $0x6;
	s6 =	sand.u32 $0x1, s2  }
0xa: {  	s2 =	simm.s32 $0x0;
	s7 =	sshll.u32 s9, $0x7;
	s8 =	sshll.u32 s6, $0x6  }
0xb: {  	s26 =	sadd.s32 $0x41400, s5;
	s9 =	sshll.u32 s9, $0xE;
	s7 =	sor.u32 s8, s7  }
0xc: {  	[smem:$0x7FF] =	sst s2;
	s10 =	sshll.u32 s6, $0xD;
	s0 =	sadd.s32 s0, s7  }
0xd: {  	_ =	strace $0x80000047;
	s1 =	sadd.s32 s1, s7;
	[dreg:$0x7] =	wrdreg s0  }
0xe: {  	s24 =	ssub.s32 $0x2, s6;
	s11 =	sadd.s32 s4, s7;
	[dreg:$0x8] =	wrdreg s1  }
0xf: {  	s4 =	simm.s32 $0xA;
	s1 =	sor.u32 s10, s9;
	[dreg:$0x9] =	wrdreg s11  }
0x10: {  	s10 =	sadd.s32 $0x1400, s5;
	s5 =	sadd.s32 $0x81400, s5;
	s11 =	simm.s32 $0x8600  }
0x11: {  	s12 =	sadd.s32 s26, s1;
	s13 =	sor.u32 $0x800, s1;
	s16 =	sor.u32 $0x1000, s1  }
0x12: {  	s9 =	sor.u32 $0x1800, s1;
	s19 =	sadd.s32 s10, s1;
	[dreg:$0xa] =	wrdreg s12  }
0x13: {  	s23 =	sadd.s32 s5, s1;
	s15 =	sadd.s32 s26, s13;
	[dreg:$0xe] =	wrdreg s19  }
0x14: {  	s17 =	sadd.s32 s26, s16;
	s18 =	sadd.s32 s26, s9;
	[dreg:$0x12] =	wrdreg s23  }
0x15: {  	s20 =	sadd.s32 s10, s13;
	s21 =	sadd.s32 s10, s16;
	[dreg:$0xb] =	wrdreg s15  }
0x16: {  	s22 =	sadd.s32 s10, s9;
	s25 =	sadd.s32 s5, s13;
	[dreg:$0xc] =	wrdreg s17  }
0x17: {  	s26 =	sshrl.u32 s24, $0x1;
	s6 =	sadd.s32 s5, s16;
	[dreg:$0xd] =	wrdreg s18  }
0x18: {  	s7 =	sadd.s32 s5, s9;
	s5 =	simm.s32 $0x9;
	[dreg:$0xf] =	wrdreg s20  }
0x19: {  	s13 =	simm.s32 $0x600;
	s12 =	simm.s32 $0x4600;
	[dreg:$0x10] =	wrdreg s21  }
0x1a: {  	s16 =	simm.s32 $0x100;
	s10 =	simm.s32 $0xC600;
	[dreg:$0x11] =	wrdreg s22  }
0x1b: {  	s9 =	simm.s32 $0x10600;
	s19 =	simm.s32 $0x300;
	[dreg:$0x13] =	wrdreg s25  }
0x1c: {  	s23 =	simm.s32 $0x18600;
	s1 =	ssub.s32 s24, s26;
	[dreg:$0x14] =	wrdreg s6  }
0x1d: {  	[dreg:$0x15] =	wrdreg s7;
	s25 =	simm.s32 $0x400;
	s6 =	simm.s32 $0x8  }
0x1e: {  	s20 =	simm.s32 $0x80;
	[dreg:$0x16] =	wrdreg s16;
	s17 =	simm.s32 $0x180  }
0x1f: {  	s18 =	simm.s32 $0x280;
	s24 =	simm.s32 $0x14600;
	[dreg:$0x19] =	wrdreg s19  }
0x20: {  	s21 =	simm.s32 $0x380;
	s22 =	simm.s32 $0x1;
	s8 =	smax.u32 s1, $0x1  }
0x21: {  	s26 =	simm.s32 $0x480;
	s16 =	simm.s32 $0x4;
	p1 =	sne.s32 s8, $0x1  }
.Ltmp0:
0x22: {  	s7 =	simm.s32 $0xB;
	[dreg:$0x17] =	wrdreg s17;
	(pc) =	sbr.rel @!p1 .LBB2_1-.Ltmp0, $4  }
0x23: {  	s15 =	simm.s32 $0x5;
	s19 =	simm.s32 $0xD;
	[dreg:$0x18] =	wrdreg s18  }
0x24: {  	[dreg:$0x1a] =	wrdreg s21;
	s21 =	simm.s32 $0x2;
	s18 =	simm.s32 $0x3  }
0x25: {  	[dreg:$0x1b] =	wrdreg s26;
	s26 =	simm.s32 $0x7;
	s17 =	simm.s32 $0xE  }
0x26: {  	s1 =	rddreg [dreg:$0x7];
	s0 =	sadd.s32 $0xFFFFFFFF, s8;
	s8 =	simm.s32 $0xC  }
0x27: {  	[tilespmem:s2], [sflag:$0x8] =	stream.linear.gather [hbm4b:s1+s2], $0x200, $0x38;
	[tilespmem:$0x1C600] =	vst v63  }
0x28: {  	s29 =	smov.u32 s0;
	s0 =	rddreg [dreg:$0x8]  }
0x29: {  	[tilespmem:s31], [sflag:$0x9] =	stream.linear.gather [hbm4b:s0+s2], $0x200, $0x38;
	[tilespmem:$0x1C600] =	vst v63  }
0x2a: {  	s1 =	rddreg [dreg:$0x9]  }
0x2b: {  	[tilespmem:s25], [sflag:$0xA] =	stream.linear.gather [hbm4b:s1+s2], $0x200, $0x38;
	[tilespmem:$0x1C600] =	vst v63  }
0x2c: {  	_ =	swait.ge [sflag:s6], $0x200  }
0x2d: {  	[sflag:s6] =	ssyncset.done $0x0  }
0x2e: {  	[sflag:s6] =	ssyncadd.s32 $0xFFFFFE00  }
0x2f: {  	_ =	swait.ge [sflag:s5], $0x200  }
0x30: {  	[sflag:s5] =	ssyncset.done $0x0  }
0x31: {  	[sflag:s5] =	ssyncadd.s32 $0xFFFFFE00  }
0x32: {  	_ =	swait.ge [sflag:s4], $0x200  }
0x33: {  	[sflag:s4] =	ssyncset.done $0x0  }
0x34: {  	[sflag:s4] =	ssyncadd.s32 $0xFFFFFE00  }
0x35: {  	[tilespmem:s13], [sflag:$0x1] =	stream.indirect.gather [hbm4b:s14+s20], $0x80, s2, s20, $0xb8;
	[tilespmem:$0x1C600] =	vst v63  }
0x36: {  	_ = 	snop  }
0x37: {  	[tilespmem:s12], [sflag:$0x2] =	stream.indirect.gather [hbm4b:s14+s20], $0x80, s20, s20, $0xb8;
	[tilespmem:$0x1C600] =	vst v63  }
0x38: {  	s0 =	rddreg [dreg:$0x16]  }
0x39: {  	[tilespmem:s11], [sflag:$0x3] =	stream.indirect.gather [hbm4b:s14+s20], $0x80, s0, s20, $0xb8;
	[tilespmem:$0x1C600] =	vst v63  }
0x3a: {  	s1 =	rddreg [dreg:$0x17]  }
0x3b: {  	[tilespmem:s10], [sflag:$0x4] =	stream.indirect.gather [hbm4b:s14+s20], $0x80, s1, s20, $0xb8;
	[tilespmem:$0x1C600] =	vst v63  }
0x3c: {  	_ = 	snop  }
0x3d: {  	[tilespmem:s9], [sflag:$0x5] =	stream.indirect.gather [hbm4b:s3+s20], $0x80, s31, s20, $0xb8;
	[tilespmem:$0x1C600] =	vst v63  }
0x3e: {  	s0 =	rddreg [dreg:$0x18]  }
0x3f: {  	[tilespmem:s24], [sflag:$0x6] =	stream.indirect.gather [hbm4b:s3+s20], $0x80, s0, s20, $0xb8;
	[tilespmem:$0x1C600] =	vst v63  }
0x40: {  	s1 =	rddreg [dreg:$0x19]  }
0x41: {  	[tilespmem:s23], [sflag:$0x7] =	stream.indirect.gather [hbm4b:s3+s20], $0x80, s1, s20, $0xb8;
	[tilespmem:$0x1C600] =	vst v63  }
0x42: {  	_ =	swait.ge [sflag:s22], $0x4000  }
0x43: {  	[sflag:s22] =	ssyncset.done $0x0  }
0x44: {  	s1 =	rddreg [dreg:$0xa];
	[sflag:s22] =	ssyncadd.s32 $0xFFFFC000  }
0x45: {  	[hbm4b:s1+s2] =	stream.linear.scatter [tilespmem:s13], [sflag:$0x8], $0x4000, $0x38;
	[tilespmem:$0x1C600] =	vst v63  }
0x46: {  	_ =	swait.ge [sflag:s6], $0x4000  }
0x47: {  	[sflag:s6] =	ssyncset.done $0x0  }
0x48: {  	s1 =	rddreg [dreg:$0x1a];
	[sflag:s6] =	ssyncadd.s32 $0xFFFFC000  }
0x49: {  	[tilespmem:s13], [sflag:$0x1] =	stream.indirect.gather [hbm4b:s3+s20], $0x80, s1, s20, $0xb8;
	[tilespmem:$0x1C600] =	vst v63  }
0x4a: {  	_ =	swait.ge [sflag:s21], $0x4000  }
0x4b: {  	[sflag:s21] =	ssyncset.done $0x0  }
0x4c: {  	s1 =	rddreg [dreg:$0xb];
	[sflag:s21] =	ssyncadd.s32 $0xFFFFC000  }
0x4d: {  	[hbm4b:s1+s2] =	stream.linear.scatter [tilespmem:s12], [sflag:$0x9], $0x4000, $0x38;
	[tilespmem:$0x1C600] =	vst v63  }
0x4e: {  	_ =	swait.ge [sflag:s5], $0x4000  }
0x4f: {  	[sflag:s5] =	ssyncset.done $0x0  }
0x50: {  	[sflag:s5] =	ssyncadd.s32 $0xFFFFC000  }
0x51: {  	[tilespmem:s12], [sflag:$0x2] =	stream.indirect.gather [hbm4b:s3+s20], $0x80, s25, s20, $0xb8;
	[tilespmem:$0x1C600] =	vst v63  }
0x52: {  	_ =	swait.ge [sflag:s18], $0x4000  }
0x53: {  	[sflag:s18] =	ssyncset.done $0x0  }
0x54: {  	s1 =	rddreg [dreg:$0xc];
	[sflag:s18] =	ssyncadd.s32 $0xFFFFC000  }
0x55: {  	[hbm4b:s1+s2] =	stream.linear.scatter [tilespmem:s11], [sflag:$0xA], $0x4000, $0x38;
	[tilespmem:$0x1C600] =	vst v63  }
0x56: {  	_ =	swait.ge [sflag:s4], $0x4000  }
0x57: {  	[sflag:s4] =	ssyncset.done $0x0  }
0x58: {  	s1 =	rddreg [dreg:$0x1b];
	[sflag:s4] =	ssyncadd.s32 $0xFFFFC000  }
0x59: {  	[tilespmem:s11], [sflag:$0x3] =	stream.indirect.gather [hbm4b:s3+s20], $0x80, s1, s20, $0xb8;
	[tilespmem:$0x1C600] =	vst v63  }
0x5a: {  	_ =	swait.ge [sflag:s16], $0x4000  }
0x5b: {  	[sflag:s16] =	ssyncset.done $0x0  }
0x5c: {  	s1 =	rddreg [dreg:$0xd];
	[sflag:s16] =	ssyncadd.s32 $0xFFFFC000  }
0x5d: {  	[hbm4b:s1+s2] =	stream.linear.scatter [tilespmem:s10], [sflag:$0xB], $0x4000, $0x38;
	[tilespmem:$0x1C600] =	vst v63  }
0x5e: {  	_ =	swait.ge [sflag:s7], $0x4000  }
0x5f: {  	[sflag:s7] =	ssyncset.done $0x0  }
0x60: {  	s1 =	simm.s32 $0x500;
	[sflag:s7] =	ssyncadd.s32 $0xFFFFC000  }
0x61: {  	[tilespmem:s10], [sflag:$0x4] =	stream.indirect.gather [hbm4b:s3+s20], $0x80, s1, s20, $0xb8;
	[tilespmem:$0x1C600] =	vst v63  }
0x62: {  	_ =	swait.ge [sflag:s15], $0x4000  }
0x63: {  	[sflag:s15] =	ssyncset.done $0x0  }
0x64: {  	s1 =	rddreg [dreg:$0xe];
	[sflag:s15] =	ssyncadd.s32 $0xFFFFC000  }
0x65: {  	[hbm4b:s1+s2] =	stream.linear.scatter [tilespmem:s9], [sflag:$0xC], $0x4000, $0x38;
	[tilespmem:$0x1C600] =	vst v63  }
0x66: {  	_ =	swait.ge [sflag:s8], $0x4000  }
0x67: {  	[sflag:s8] =	ssyncset.done $0x0  }
0x68: {  	[sflag:s8] =	ssyncadd.s32 $0xFFFFC000  }
0x69: {  	[tilespmem:s9], [sflag:$0x5] =	stream.indirect.gather [hbm4b:s3+s20], $0x80, s30, s20, $0xb8;
	[tilespmem:$0x1C600] =	vst v63  }
0x6a: {  	_ =	swait.ge [sflag:s28], $0x4000  }
0x6b: {  	[sflag:s28] =	ssyncset.done $0x0  }
0x6c: {  	s1 =	rddreg [dreg:$0xf];
	[sflag:s28] =	ssyncadd.s32 $0xFFFFC000  }
0x6d: {  	[hbm4b:s1+s2] =	stream.linear.scatter [tilespmem:s24], [sflag:$0xD], $0x4000, $0x38;
	[tilespmem:$0x1C600] =	vst v63  }
0x6e: {  	_ =	swait.ge [sflag:s26], $0x4000  }
0x6f: {  	[sflag:s26] =	ssyncset.done $0x0  }
0x70: {  	s1 =	rddreg [dreg:$0x10];
	[sflag:s26] =	ssyncadd.s32 $0xFFFFC000  }
0x71: {  	[hbm4b:s1+s2] =	stream.linear.scatter [tilespmem:s23], [sflag:$0xE], $0x4000, $0x38;
	[tilespmem:$0x1C600] =	vst v63  }
0x72: {  	_ =	swait.ge [sflag:s22], $0x4000  }
0x73: {  	[sflag:s22] =	ssyncset.done $0x0  }
0x74: {  	s1 =	rddreg [dreg:$0x11];
	[sflag:s22] =	ssyncadd.s32 $0xFFFFC000  }
0x75: {  	[hbm4b:s1+s2] =	stream.linear.scatter [tilespmem:s13], [sflag:$0x8], $0x4000, $0x38;
	[tilespmem:$0x1C600] =	vst v63  }
0x76: {  	_ =	swait.ge [sflag:s21], $0x4000  }
0x77: {  	[sflag:s21] =	ssyncset.done $0x0  }
0x78: {  	s1 =	rddreg [dreg:$0x12];
	[sflag:s21] =	ssyncadd.s32 $0xFFFFC000  }
0x79: {  	[hbm4b:s1+s2] =	stream.linear.scatter [tilespmem:s12], [sflag:$0x9], $0x4000, $0x38;
	[tilespmem:$0x1C600] =	vst v63  }
0x7a: {  	_ =	swait.ge [sflag:s18], $0x4000  }
0x7b: {  	[sflag:s18] =	ssyncset.done $0x0  }
0x7c: {  	s1 =	rddreg [dreg:$0x13];
	[sflag:s18] =	ssyncadd.s32 $0xFFFFC000  }
0x7d: {  	[hbm4b:s1+s2] =	stream.linear.scatter [tilespmem:s11], [sflag:$0xA], $0x4000, $0x38;
	[tilespmem:$0x1C600] =	vst v63  }
0x7e: {  	_ =	swait.ge [sflag:s16], $0x4000  }
0x7f: {  	[sflag:s16] =	ssyncset.done $0x0  }
0x80: {  	s1 =	rddreg [dreg:$0x14];
	[sflag:s16] =	ssyncadd.s32 $0xFFFFC000  }
0x81: {  	[hbm4b:s1+s2] =	stream.linear.scatter [tilespmem:s10], [sflag:$0xB], $0x4000, $0x38;
	[tilespmem:$0x1C600] =	vst v63  }
0x82: {  	_ =	swait.ge [sflag:s15], $0x4000  }
0x83: {  	[sflag:s15] =	ssyncset.done $0x0  }
0x84: {  	s1 =	rddreg [dreg:$0x15];
	[sflag:s15] =	ssyncadd.s32 $0xFFFFC000  }
0x85: {  	[hbm4b:s1+s2] =	stream.linear.scatter [tilespmem:s9], [sflag:$0xC], $0x4000, $0x38;
	[tilespmem:$0x1C600] =	vst v63  }
0x86: {  	_ =	swait.ge [sflag:s19], $0x4000  }
0x87: {  	[sflag:s19] =	ssyncset.done $0x0  }
0x88: {  	[sflag:s19] =	ssyncadd.s32 $0xFFFFC000  }
0x89: {  	_ =	swait.ge [sflag:s17], $0x4000  }
0x8a: {  	[sflag:s17] =	ssyncset.done $0x0  }
0x8b: {  	[sflag:s17] =	ssyncadd.s32 $0xFFFFC000  }
0x8c: {  	_ =	swait.ge [sflag:s6], $0x4000  }
0x8d: {  	[sflag:s6] =	ssyncset.done $0x0  }
0x8e: {  	[sflag:s6] =	ssyncadd.s32 $0xFFFFC000  }
0x8f: {  	_ =	swait.ge [sflag:s5], $0x4000  }
0x90: {  	[sflag:s5] =	ssyncset.done $0x0  }
0x91: {  	[sflag:s5] =	ssyncadd.s32 $0xFFFFC000  }
0x92: {  	_ =	swait.ge [sflag:s4], $0x4000  }
0x93: {  	[sflag:s4] =	ssyncset.done $0x0  }
0x94: {  	p1 =	sne.s32 s29, $0x1;
	[sflag:s4] =	ssyncadd.s32 $0xFFFFC000  }
.Ltmp1:
0x95: {  	_ =	swait.ge [sflag:s7], $0x4000;
	(pc) =	sbr.rel @!p1 .LBB2_3-.Ltmp1, $4  }
0x96: {  	[sflag:s7] =	ssyncset.done $0x0  }
0x97: {  	[sflag:s7] =	ssyncadd.s32 $0xFFFFC000  }
0x98: {  	p0 =	por $0x1, $0x1;
	_ =	swait.ge [sflag:s8], $0x4000  }
0x99: {  	s0 =	sadd.s32 $0xFFFFFFFF, s29;
	s1 =	rddreg [dreg:$0x7];
	[sflag:s8] =	ssyncset.done $0x0  }
.LBB2_4:
0x9a: {  	[sflag:s8] =	ssyncadd.s32 $0xFFFFC000  }
0x9b: {  	[tilespmem:s2], [sflag:$0x8] =	stream.linear.gather [hbm4b:s1+s2], $0x200, $0x38;
	[tilespmem:$0x1C600] =	vst v63  }
0x9c: {  	s29 =	rddreg [dreg:$0x8]  }
0x9d: {  	[tilespmem:s31], [sflag:$0x9] =	stream.linear.gather [hbm4b:s29+s2], $0x200, $0x38;
	[tilespmem:$0x1C600] =	vst v63  }
0x9e: {  	s1 =	rddreg [dreg:$0x9]  }
0x9f: {  	[tilespmem:s25], [sflag:$0xA] =	stream.linear.gather [hbm4b:s1+s2], $0x200, $0x38;
	[tilespmem:$0x1C600] =	vst v63  }
0xa0: {  	_ =	swait.ge [sflag:s6], $0x200  }
0xa1: {  	[sflag:s6] =	ssyncset.done $0x0  }
0xa2: {  	[sflag:s6] =	ssyncadd.s32 $0xFFFFFE00  }
0xa3: {  	_ =	swait.ge [sflag:s5], $0x200  }
0xa4: {  	[sflag:s5] =	ssyncset.done $0x0  }
0xa5: {  	[sflag:s5] =	ssyncadd.s32 $0xFFFFFE00  }
0xa6: {  	_ =	swait.ge [sflag:s4], $0x200  }
0xa7: {  	[sflag:s4] =	ssyncset.done $0x0  }
0xa8: {  	[sflag:s4] =	ssyncadd.s32 $0xFFFFFE00  }
0xa9: {  	[tilespmem:s13], [sflag:$0x1] =	stream.indirect.gather [hbm4b:s14+s20], $0x80, s2, s20, $0xb8;
	[tilespmem:$0x1C600] =	vst v63  }
0xaa: {  	_ = 	snop  }
0xab: {  	[tilespmem:s12], [sflag:$0x2] =	stream.indirect.gather [hbm4b:s14+s20], $0x80, s20, s20, $0xb8;
	[tilespmem:$0x1C600] =	vst v63  }
0xac: {  	s1 =	rddreg [dreg:$0x16]  }
0xad: {  	[tilespmem:s11], [sflag:$0x3] =	stream.indirect.gather [hbm4b:s14+s20], $0x80, s1, s20, $0xb8;
	[tilespmem:$0x1C600] =	vst v63  }
0xae: {  	s29 =	rddreg [dreg:$0x17]  }
0xaf: {  	[tilespmem:s10], [sflag:$0x4] =	stream.indirect.gather [hbm4b:s14+s20], $0x80, s29, s20, $0xb8;
	[tilespmem:$0x1C600] =	vst v63  }
0xb0: {  	_ = 	snop  }
0xb1: {  	[tilespmem:s9], [sflag:$0x5] =	stream.indirect.gather [hbm4b:s3+s20], $0x80, s31, s20, $0xb8;
	[tilespmem:$0x1C600] =	vst v63  }
0xb2: {  	s1 =	rddreg [dreg:$0x18]  }
0xb3: {  	[tilespmem:s24], [sflag:$0x6] =	stream.indirect.gather [hbm4b:s3+s20], $0x80, s1, s20, $0xb8;
	[tilespmem:$0x1C600] =	vst v63  }
0xb4: {  	s29 =	rddreg [dreg:$0x19]  }
0xb5: {  	[tilespmem:s23], [sflag:$0x7] =	stream.indirect.gather [hbm4b:s3+s20], $0x80, s29, s20, $0xb8;
	[tilespmem:$0x1C600] =	vst v63  }
0xb6: {  	_ =	swait.ge [sflag:s22], $0x4000  }
0xb7: {  	[sflag:s22] =	ssyncset.done $0x0  }
0xb8: {  	s29 =	rddreg [dreg:$0xa];
	[sflag:s22] =	ssyncadd.s32 $0xFFFFC000  }
0xb9: {  	[hbm4b:s29+s2] =	stream.linear.scatter [tilespmem:s13], [sflag:$0x8], $0x4000, $0x38;
	[tilespmem:$0x1C600] =	vst v63  }
0xba: {  	_ =	swait.ge [sflag:s6], $0x4000  }
0xbb: {  	[sflag:s6] =	ssyncset.done $0x0  }
0xbc: {  	s29 =	rddreg [dreg:$0x1a];
	[sflag:s6] =	ssyncadd.s32 $0xFFFFC000  }
0xbd: {  	[tilespmem:s13], [sflag:$0x1] =	stream.indirect.gather [hbm4b:s3+s20], $0x80, s29, s20, $0xb8;
	[tilespmem:$0x1C600] =	vst v63  }
0xbe: {  	_ =	swait.ge [sflag:s21], $0x4000  }
0xbf: {  	[sflag:s21] =	ssyncset.done $0x0  }
0xc0: {  	s29 =	rddreg [dreg:$0xb];
	[sflag:s21] =	ssyncadd.s32 $0xFFFFC000  }
0xc1: {  	[hbm4b:s29+s2] =	stream.linear.scatter [tilespmem:s12], [sflag:$0x9], $0x4000, $0x38;
	[tilespmem:$0x1C600] =	vst v63  }
0xc2: {  	_ =	swait.ge [sflag:s5], $0x4000  }
0xc3: {  	[sflag:s5] =	ssyncset.done $0x0  }
0xc4: {  	[sflag:s5] =	ssyncadd.s32 $0xFFFFC000  }
0xc5: {  	[tilespmem:s12], [sflag:$0x2] =	stream.indirect.gather [hbm4b:s3+s20], $0x80, s25, s20, $0xb8;
	[tilespmem:$0x1C600] =	vst v63  }
0xc6: {  	_ =	swait.ge [sflag:s18], $0x4000  }
0xc7: {  	[sflag:s18] =	ssyncset.done $0x0  }
0xc8: {  	s29 =	rddreg [dreg:$0xc];
	[sflag:s18] =	ssyncadd.s32 $0xFFFFC000  }
0xc9: {  	[hbm4b:s29+s2] =	stream.linear.scatter [tilespmem:s11], [sflag:$0xA], $0x4000, $0x38;
	[tilespmem:$0x1C600] =	vst v63  }
0xca: {  	_ =	swait.ge [sflag:s4], $0x4000  }
0xcb: {  	[sflag:s4] =	ssyncset.done $0x0  }
0xcc: {  	s29 =	rddreg [dreg:$0x1b];
	[sflag:s4] =	ssyncadd.s32 $0xFFFFC000  }
0xcd: {  	[tilespmem:s11], [sflag:$0x3] =	stream.indirect.gather [hbm4b:s3+s20], $0x80, s29, s20, $0xb8;
	[tilespmem:$0x1C600] =	vst v63  }
0xce: {  	_ =	swait.ge [sflag:s16], $0x4000  }
0xcf: {  	[sflag:s16] =	ssyncset.done $0x0  }
0xd0: {  	s29 =	rddreg [dreg:$0xd];
	[sflag:s16] =	ssyncadd.s32 $0xFFFFC000  }
0xd1: {  	[hbm4b:s29+s2] =	stream.linear.scatter [tilespmem:s10], [sflag:$0xB], $0x4000, $0x38;
	[tilespmem:$0x1C600] =	vst v63  }
0xd2: {  	_ =	swait.ge [sflag:s7], $0x4000  }
0xd3: {  	[sflag:s7] =	ssyncset.done $0x0  }
0xd4: {  	s29 =	simm.s32 $0x500;
	[sflag:s7] =	ssyncadd.s32 $0xFFFFC000  }
0xd5: {  	[tilespmem:s10], [sflag:$0x4] =	stream.indirect.gather [hbm4b:s3+s20], $0x80, s29, s20, $0xb8;
	[tilespmem:$0x1C600] =	vst v63  }
0xd6: {  	_ =	swait.ge [sflag:s15], $0x4000  }
0xd7: {  	[sflag:s15] =	ssyncset.done $0x0  }
0xd8: {  	s29 =	rddreg [dreg:$0xe];
	[sflag:s15] =	ssyncadd.s32 $0xFFFFC000  }
0xd9: {  	[hbm4b:s29+s2] =	stream.linear.scatter [tilespmem:s9], [sflag:$0xC], $0x4000, $0x38;
	[tilespmem:$0x1C600] =	vst v63  }
0xda: {  	_ =	swait.ge [sflag:s8], $0x4000  }
0xdb: {  	[sflag:s8] =	ssyncset.done $0x0  }
0xdc: {  	[sflag:s8] =	ssyncadd.s32 $0xFFFFC000  }
0xdd: {  	[tilespmem:s9], [sflag:$0x5] =	stream.indirect.gather [hbm4b:s3+s20], $0x80, s30, s20, $0xb8;
	[tilespmem:$0x1C600] =	vst v63  }
0xde: {  	_ =	swait.ge [sflag:s28], $0x4000  }
0xdf: {  	[sflag:s28] =	ssyncset.done $0x0  }
0xe0: {  	s29 =	rddreg [dreg:$0xf];
	[sflag:s28] =	ssyncadd.s32 $0xFFFFC000  }
0xe1: {  	[hbm4b:s29+s2] =	stream.linear.scatter [tilespmem:s24], [sflag:$0xD], $0x4000, $0x38;
	[tilespmem:$0x1C600] =	vst v63  }
0xe2: {  	_ =	swait.ge [sflag:s26], $0x4000  }
0xe3: {  	[sflag:s26] =	ssyncset.done $0x0  }
0xe4: {  	s29 =	rddreg [dreg:$0x10];
	[sflag:s26] =	ssyncadd.s32 $0xFFFFC000  }
0xe5: {  	[hbm4b:s29+s2] =	stream.linear.scatter [tilespmem:s23], [sflag:$0xE], $0x4000, $0x38;
	[tilespmem:$0x1C600] =	vst v63  }
0xe6: {  	_ =	swait.ge [sflag:s22], $0x4000  }
0xe7: {  	[sflag:s22] =	ssyncset.done $0x0  }
0xe8: {  	s29 =	rddreg [dreg:$0x11];
	[sflag:s22] =	ssyncadd.s32 $0xFFFFC000  }
0xe9: {  	[hbm4b:s29+s2] =	stream.linear.scatter [tilespmem:s13], [sflag:$0x8], $0x4000, $0x38;
	[tilespmem:$0x1C600] =	vst v63  }
0xea: {  	_ =	swait.ge [sflag:s21], $0x4000  }
0xeb: {  	[sflag:s21] =	ssyncset.done $0x0  }
0xec: {  	s29 =	rddreg [dreg:$0x12];
	[sflag:s21] =	ssyncadd.s32 $0xFFFFC000  }
0xed: {  	[hbm4b:s29+s2] =	stream.linear.scatter [tilespmem:s12], [sflag:$0x9], $0x4000, $0x38;
	[tilespmem:$0x1C600] =	vst v63  }
0xee: {  	_ =	swait.ge [sflag:s18], $0x4000  }
0xef: {  	[sflag:s18] =	ssyncset.done $0x0  }
0xf0: {  	s29 =	rddreg [dreg:$0x13];
	[sflag:s18] =	ssyncadd.s32 $0xFFFFC000  }
0xf1: {  	[hbm4b:s29+s2] =	stream.linear.scatter [tilespmem:s11], [sflag:$0xA], $0x4000, $0x38;
	[tilespmem:$0x1C600] =	vst v63  }
0xf2: {  	_ =	swait.ge [sflag:s16], $0x4000  }
0xf3: {  	[sflag:s16] =	ssyncset.done $0x0  }
0xf4: {  	s29 =	rddreg [dreg:$0x14];
	[sflag:s16] =	ssyncadd.s32 $0xFFFFC000  }
0xf5: {  	[hbm4b:s29+s2] =	stream.linear.scatter [tilespmem:s10], [sflag:$0xB], $0x4000, $0x38;
	[tilespmem:$0x1C600] =	vst v63  }
0xf6: {  	_ =	swait.ge [sflag:s15], $0x4000  }
0xf7: {  	[sflag:s15] =	ssyncset.done $0x0  }
0xf8: {  	s29 =	rddreg [dreg:$0x15];
	[sflag:s15] =	ssyncadd.s32 $0xFFFFC000  }
0xf9: {  	[hbm4b:s29+s2] =	stream.linear.scatter [tilespmem:s9], [sflag:$0xC], $0x4000, $0x38;
	[tilespmem:$0x1C600] =	vst v63  }
0xfa: {  	_ =	swait.ge [sflag:s19], $0x4000  }
0xfb: {  	[sflag:s19] =	ssyncset.done $0x0  }
0xfc: {  	[sflag:s19] =	ssyncadd.s32 $0xFFFFC000  }
0xfd: {  	_ =	swait.ge [sflag:s17], $0x4000  }
0xfe: {  	[sflag:s17] =	ssyncset.done $0x0  }
0xff: {  	[sflag:s17] =	ssyncadd.s32 $0xFFFFC000  }
0x100: {  	_ =	swait.ge [sflag:s6], $0x4000  }
0x101: {  	[sflag:s6] =	ssyncset.done $0x0  }
0x102: {  	[sflag:s6] =	ssyncadd.s32 $0xFFFFC000  }
0x103: {  	_ =	swait.ge [sflag:s5], $0x4000  }
0x104: {  	[sflag:s5] =	ssyncset.done $0x0  }
0x105: {  	[sflag:s5] =	ssyncadd.s32 $0xFFFFC000  }
0x106: {  	_ =	swait.ge [sflag:s4], $0x4000  }
0x107: {  	[sflag:s4] =	ssyncset.done $0x0  }
0x108: {  	p1 =	sne.s32 s0, $0x1;
	[sflag:s4] =	ssyncadd.s32 $0xFFFFC000  }
.Ltmp2:
0x109: {  	_ =	swait.ge [sflag:s7], $0x4000;
	(pc) =	sbr.rel @p1 .LBB2_4-.Ltmp2, $4  }
0x10a: {  	[sflag:s7] =	ssyncset.done $0x0  }
0x10b: {  	[sflag:s7] =	ssyncadd.s32 $0xFFFFC000  }
0x10c: {  	_ =	swait.ge [sflag:s8], $0x4000  }
0x10d: {  	s0 =	sadd.s32 $0xFFFFFFFF, s0;
	s1 =	rddreg [dreg:$0x7];
	[sflag:s8] =	ssyncset.done $0x0  }
0x10e: {  	s30 =	simm.s32 $0x500;
	s29 =	rddreg [dreg:$0x6]  }
.LBB2_6:
0x10f: {  	[sflag:s8] =	ssyncadd.s32 @p0 $0xFFFFC000  }
0x110: {  	[tilespmem:s2], [sflag:$0x8] =	stream.linear.gather [hbm4b:s1+s2], $0x200, $0x38;
	[tilespmem:$0x1C600] =	vst v63  }
0x111: {  	s0 =	rddreg [dreg:$0x8]  }
0x112: {  	[tilespmem:s31], [sflag:$0x9] =	stream.linear.gather [hbm4b:s0+s2], $0x200, $0x38;
	[tilespmem:$0x1C600] =	vst v63  }
0x113: {  	s1 =	rddreg [dreg:$0x9]  }
0x114: {  	[tilespmem:s25], [sflag:$0xA] =	stream.linear.gather [hbm4b:s1+s2], $0x200, $0x38;
	[tilespmem:$0x1C600] =	vst v63  }
0x115: {  	_ =	swait.ge [sflag:s6], $0x200  }
0x116: {  	[sflag:s6] =	ssyncset.done $0x0  }
0x117: {  	[sflag:s6] =	ssyncadd.s32 $0xFFFFFE00  }
0x118: {  	_ =	swait.ge [sflag:s5], $0x200  }
0x119: {  	[sflag:s5] =	ssyncset.done $0x0  }
0x11a: {  	[sflag:s5] =	ssyncadd.s32 $0xFFFFFE00  }
0x11b: {  	_ =	swait.ge [sflag:s4], $0x200  }
0x11c: {  	[sflag:s4] =	ssyncset.done $0x0  }
0x11d: {  	[sflag:s4] =	ssyncadd.s32 $0xFFFFFE00  }
0x11e: {  	[tilespmem:s13], [sflag:$0x1] =	stream.indirect.gather [hbm4b:s14+s20], $0x80, s2, s20, $0xb8;
	[tilespmem:$0x1C600] =	vst v63  }
0x11f: {  	_ = 	snop  }
0x120: {  	[tilespmem:s12], [sflag:$0x2] =	stream.indirect.gather [hbm4b:s14+s20], $0x80, s20, s20, $0xb8;
	[tilespmem:$0x1C600] =	vst v63  }
0x121: {  	s0 =	rddreg [dreg:$0x16]  }
0x122: {  	[tilespmem:s11], [sflag:$0x3] =	stream.indirect.gather [hbm4b:s14+s20], $0x80, s0, s20, $0xb8;
	[tilespmem:$0x1C600] =	vst v63  }
0x123: {  	s1 =	rddreg [dreg:$0x17]  }
0x124: {  	[tilespmem:s10], [sflag:$0x4] =	stream.indirect.gather [hbm4b:s14+s20], $0x80, s1, s20, $0xb8;
	[tilespmem:$0x1C600] =	vst v63  }
0x125: {  	_ = 	snop  }
0x126: {  	[tilespmem:s9], [sflag:$0x5] =	stream.indirect.gather [hbm4b:s3+s20], $0x80, s31, s20, $0xb8;
	[tilespmem:$0x1C600] =	vst v63  }
0x127: {  	s14 =	rddreg [dreg:$0x18]  }
0x128: {  	[tilespmem:s24], [sflag:$0x6] =	stream.indirect.gather [hbm4b:s3+s20], $0x80, s14, s20, $0xb8;
	[tilespmem:$0x1C600] =	vst v63  }
0x129: {  	s31 =	rddreg [dreg:$0x19]  }
0x12a: {  	[tilespmem:s23], [sflag:$0x7] =	stream.indirect.gather [hbm4b:s3+s20], $0x80, s31, s20, $0xb8;
	[tilespmem:$0x1C600] =	vst v63  }
0x12b: {  	_ =	swait.ge [sflag:s22], $0x4000  }
0x12c: {  	[sflag:s22] =	ssyncset.done $0x0  }
0x12d: {  	s1 =	rddreg [dreg:$0xa];
	[sflag:s22] =	ssyncadd.s32 $0xFFFFC000  }
0x12e: {  	[hbm4b:s1+s2] =	stream.linear.scatter [tilespmem:s13], [sflag:$0x8], $0x4000, $0x38;
	[tilespmem:$0x1C600] =	vst v63  }
0x12f: {  	_ =	swait.ge [sflag:s6], $0x4000  }
0x130: {  	[sflag:s6] =	ssyncset.done $0x0  }
0x131: {  	s14 =	rddreg [dreg:$0x1a];
	[sflag:s6] =	ssyncadd.s32 $0xFFFFC000  }
0x132: {  	[tilespmem:s13], [sflag:$0x1] =	stream.indirect.gather [hbm4b:s3+s20], $0x80, s14, s20, $0xb8;
	[tilespmem:$0x1C600] =	vst v63  }
0x133: {  	_ =	swait.ge [sflag:s21], $0x4000  }
0x134: {  	[sflag:s21] =	ssyncset.done $0x0  }
0x135: {  	s31 =	rddreg [dreg:$0xb];
	[sflag:s21] =	ssyncadd.s32 $0xFFFFC000  }
0x136: {  	[hbm4b:s31+s2] =	stream.linear.scatter [tilespmem:s12], [sflag:$0x9], $0x4000, $0x38;
	[tilespmem:$0x1C600] =	vst v63  }
0x137: {  	_ =	swait.ge [sflag:s5], $0x4000  }
0x138: {  	[sflag:s5] =	ssyncset.done $0x0  }
0x139: {  	[sflag:s5] =	ssyncadd.s32 $0xFFFFC000  }
0x13a: {  	[tilespmem:s12], [sflag:$0x2] =	stream.indirect.gather [hbm4b:s3+s20], $0x80, s25, s20, $0xb8;
	[tilespmem:$0x1C600] =	vst v63  }
0x13b: {  	_ =	swait.ge [sflag:s18], $0x4000  }
0x13c: {  	[sflag:s18] =	ssyncset.done $0x0  }
0x13d: {  	s1 =	rddreg [dreg:$0xc];
	[sflag:s18] =	ssyncadd.s32 $0xFFFFC000  }
0x13e: {  	[hbm4b:s1+s2] =	stream.linear.scatter [tilespmem:s11], [sflag:$0xA], $0x4000, $0x38;
	[tilespmem:$0x1C600] =	vst v63  }
0x13f: {  	_ =	swait.ge [sflag:s4], $0x4000  }
0x140: {  	[sflag:s4] =	ssyncset.done $0x0  }
0x141: {  	s14 =	rddreg [dreg:$0x1b];
	[sflag:s4] =	ssyncadd.s32 $0xFFFFC000  }
0x142: {  	[tilespmem:s11], [sflag:$0x3] =	stream.indirect.gather [hbm4b:s3+s20], $0x80, s14, s20, $0xb8;
	[tilespmem:$0x1C600] =	vst v63  }
0x143: {  	_ =	swait.ge [sflag:s16], $0x4000  }
0x144: {  	[sflag:s16] =	ssyncset.done $0x0  }
0x145: {  	s25 =	rddreg [dreg:$0xd];
	[sflag:s16] =	ssyncadd.s32 $0xFFFFC000  }
0x146: {  	[hbm4b:s25+s2] =	stream.linear.scatter [tilespmem:s10], [sflag:$0xB], $0x4000, $0x38;
	[tilespmem:$0x1C600] =	vst v63  }
0x147: {  	_ =	swait.ge [sflag:s7], $0x4000  }
0x148: {  	[sflag:s7] =	ssyncset.done $0x0  }
0x149: {  	[sflag:s7] =	ssyncadd.s32 $0xFFFFC000  }
0x14a: {  	[tilespmem:s10], [sflag:$0x4] =	stream.indirect.gather [hbm4b:s3+s20], $0x80, s30, s20, $0xb8;
	[tilespmem:$0x1C600] =	vst v63  }
0x14b: {  	_ =	swait.ge [sflag:s15], $0x4000  }
0x14c: {  	[sflag:s15] =	ssyncset.done $0x0  }
0x14d: {  	s31 =	rddreg [dreg:$0xe];
	[sflag:s15] =	ssyncadd.s32 $0xFFFFC000  }
0x14e: {  	[hbm4b:s31+s2] =	stream.linear.scatter [tilespmem:s9], [sflag:$0xC], $0x4000, $0x38;
	[tilespmem:$0x1C600] =	vst v63  }
0x14f: {  	_ =	swait.ge [sflag:s8], $0x4000  }
0x150: {  	[sflag:s8] =	ssyncset.done $0x0  }
0x151: {  	s1 =	simm.s32 $0x580;
	[sflag:s8] =	ssyncadd.s32 $0xFFFFC000  }
0x152: {  	[tilespmem:s9], [sflag:$0x5] =	stream.indirect.gather [hbm4b:s3+s20], $0x80, s1, s20, $0xb8;
	[tilespmem:$0x1C600] =	vst v63  }
0x153: {  	_ =	swait.ge [sflag:s28], $0x4000  }
0x154: {  	[sflag:s28] =	ssyncset.done $0x0  }
0x155: {  	s14 =	rddreg [dreg:$0xf];
	[sflag:s28] =	ssyncadd.s32 $0xFFFFC000  }
0x156: {  	[hbm4b:s14+s2] =	stream.linear.scatter [tilespmem:s24], [sflag:$0xD], $0x4000, $0x38;
	[tilespmem:$0x1C600] =	vst v63  }
0x157: {  	_ =	swait.ge [sflag:s26], $0x4000  }
0x158: {  	[sflag:s26] =	ssyncset.done $0x0  }
0x159: {  	s20 =	rddreg [dreg:$0x10];
	[sflag:s26] =	ssyncadd.s32 $0xFFFFC000  }
0x15a: {  	[hbm4b:s20+s2] =	stream.linear.scatter [tilespmem:s23], [sflag:$0xE], $0x4000, $0x38;
	[tilespmem:$0x1C600] =	vst v63  }
0x15b: {  	_ =	swait.ge [sflag:s22], $0x4000  }
0x15c: {  	[sflag:s22] =	ssyncset.done $0x0  }
0x15d: {  	s24 =	rddreg [dreg:$0x11];
	[sflag:s22] =	ssyncadd.s32 $0xFFFFC000  }
0x15e: {  	[hbm4b:s24+s2] =	stream.linear.scatter [tilespmem:s13], [sflag:$0x8], $0x4000, $0x38;
	[tilespmem:$0x1C600] =	vst v63  }
0x15f: {  	_ =	swait.ge [sflag:s21], $0x4000  }
0x160: {  	[sflag:s21] =	ssyncset.done $0x0  }
0x161: {  	s25 =	rddreg [dreg:$0x12];
	[sflag:s21] =	ssyncadd.s32 $0xFFFFC000  }
0x162: {  	[hbm4b:s25+s2] =	stream.linear.scatter [tilespmem:s12], [sflag:$0x9], $0x4000, $0x38;
	[tilespmem:$0x1C600] =	vst v63  }
0x163: {  	_ =	swait.ge [sflag:s18], $0x4000  }
0x164: {  	[sflag:s18] =	ssyncset.done $0x0  }
0x165: {  	s26 =	rddreg [dreg:$0x13];
	[sflag:s18] =	ssyncadd.s32 $0xFFFFC000  }
0x166: {  	[hbm4b:s26+s2] =	stream.linear.scatter [tilespmem:s11], [sflag:$0xA], $0x4000, $0x38;
	[tilespmem:$0x1C600] =	vst v63  }
0x167: {  	_ =	swait.ge [sflag:s16], $0x4000  }
0x168: {  	[sflag:s16] =	ssyncset.done $0x0  }
0x169: {  	s28 =	rddreg [dreg:$0x14];
	[sflag:s16] =	ssyncadd.s32 $0xFFFFC000  }
0x16a: {  	[hbm4b:s28+s2] =	stream.linear.scatter [tilespmem:s10], [sflag:$0xB], $0x4000, $0x38;
	[tilespmem:$0x1C600] =	vst v63  }
0x16b: {  	_ =	swait.ge [sflag:s15], $0x4000  }
0x16c: {  	[sflag:s15] =	ssyncset.done $0x0  }
0x16d: {  	s30 =	rddreg [dreg:$0x15];
	[sflag:s15] =	ssyncadd.s32 $0xFFFFC000  }
0x16e: {  	[hbm4b:s30+s2] =	stream.linear.scatter [tilespmem:s9], [sflag:$0xC], $0x4000, $0x38;
	[tilespmem:$0x1C600] =	vst v63  }
0x16f: {  	_ =	swait.ge [sflag:s19], $0x4000  }
0x170: {  	[sflag:s19] =	ssyncset.done $0x0  }
0x171: {  	[sflag:s19] =	ssyncadd.s32 $0xFFFFC000  }
0x172: {  	_ =	swait.ge [sflag:s17], $0x4000  }
0x173: {  	[sflag:s17] =	ssyncset.done $0x0  }
0x174: {  	[sflag:s17] =	ssyncadd.s32 $0xFFFFC000  }
0x175: {  	_ =	swait.ge [sflag:s6], $0x4000  }
0x176: {  	[sflag:s6] =	ssyncset.done $0x0  }
0x177: {  	[sflag:s6] =	ssyncadd.s32 $0xFFFFC000  }
0x178: {  	_ =	swait.ge [sflag:s5], $0x4000  }
0x179: {  	[sflag:s5] =	ssyncset.done $0x0  }
0x17a: {  	[sflag:s5] =	ssyncadd.s32 $0xFFFFC000  }
0x17b: {  	_ =	swait.ge [sflag:s4], $0x4000  }
0x17c: {  	[sflag:s4] =	ssyncset.done $0x0  }
0x17d: {  	[sflag:s4] =	ssyncadd.s32 $0xFFFFC000  }
0x17e: {  	_ =	swait.ge [sflag:s7], $0x4000  }
0x17f: {  	[sflag:s7] =	ssyncset.done $0x0  }
0x180: {  	[sflag:s7] =	ssyncadd.s32 $0xFFFFC000  }
0x181: {  	_ =	swait.ge [sflag:s8], $0x4000  }
0x182: {  	[sflag:s8] =	ssyncset.done $0x0  }
0x183: {  	[sflag:s8] =	ssyncadd.s32 $0xFFFFC000  }
0x184: {  	_ =	sfence.sel $0x180000  }
0x185: {  	s31 =	stileid.u32;
	[bflag:$0x0] =	sbarrier.arrive $0xFFFF  }
0x186: {  	p0 =	sne.s32 s31, $0x0;
	_ =	strace $0x90000047  }
0x187: {  	s0 =	sadd.s32 @!p0 $0x100000, s29;
	[bflag:$0x2] =	sbarrier.arrive $0xFFFF  }
0x188: {  	[sflag:s0] =	ssyncadd.tile.s32 @!p0 $0x1;
	_ =	shalt  }
.LBB2_1:
.Ltmp3:
0x189: {  	(pc) =	sbr.rel .LBB2_6-.Ltmp3, $2  }
0x18a: {  	_ =	sdelay $0x2  }
0x18b: {  	s30 =	simm.s32 $0x500  }
.LBB2_3:
.Ltmp4:
0x18c: {  	(pc) =	sbr.rel .LBB2_6-.Ltmp4, $2  }
0x18d: {  	_ =	sdelay $0x2  }
0x18e: {  	s30 =	simm.s32 $0x500;
	s29 =	rddreg [dreg:$0x6]  }
.Lfunc_end2:
_tile_overlayer_lowered:
.L_overlay_start_2:
0x18f: {  	(tag) =	ssettag $0x2  }
0x190: {  	s0 =	rddreg [dreg:$0x0];
	s2 =	stileid.u32  }
0x191: {  	s1 =	rddreg [dreg:$0x1];
	p0 =	sne.s32 s2, $0x0  }
0x192: {  	s3 =	rddreg [dreg:$0x2];
	[bflag:$0x3] =	sbarrier.arrive $0xFFFF;
	s2 =	simm.s32 @!p0 $0x1C0F  }
0x193: {  	[timem:s3], [sflag:s2] =	dma.local @!p0 [hbm:s0], s1  }
0x194: {  	s0 =	simm.s32 @!p0 $0xF  }
0x195: {  	_ =	swait.ge @!p0 [sflag:s0], s1  }
0x196: {  	s1 =	ssub.s32 @!p0 $0x0, s1;
	[sflag:s0] =	ssyncset.done @!p0 $0x0  }
0x197: {  	[sflag:s0] =	ssyncadd.s32 @!p0 s1  }
0x198: {  	[bflag:$0x3] =	sbarrier.arrive $0xFFFF  }
0x199: {  	_ =	shalt  }

</sc_bundles>
